<compile_context>
chip_gen: v7x
topology: tpu7x:2x2x1
jax: 0.10.2.dev20260603
libtpu: 0.0.44.dev20260713+nightly
codegen_flags: <defaults>
</compile_context>

<pallas_src>
import functools

import numpy as np
import jax
import jax.numpy as jnp
from jax import lax
from jax.experimental import pallas as pl
from jax.experimental.pallas import tpu as pltpu
from jax.experimental.pallas import tpu_sc as plsc

B, C, H, W = 4, 1, 384, 384
DELTA_COS = 0.867
DELTA_Z = 1e-05
SAMPLE_RATIO = 0.2
EPS = 1e-06
DXYZ = 0.005
HW = H * W
G = int(HW * SAMPLE_RATIO)
GP = 29696
NSLICE = 16
NPW = 3 * B * GP // NSLICE
CHUNK = 7424
NCHUNK = GP // CHUNK



_U32 = np.uint32


def _tf2x32(k1, k2, x0, x1):
    def rotl(x, d):
        return ((x << _U32(d)) | (x >> _U32(32 - d))).astype(np.uint32)

    ks = [k1, k2, (k1 ^ k2 ^ _U32(0x1BD11BDA)).astype(np.uint32)]
    x = [(x0 + ks[0]).astype(np.uint32), (x1 + ks[1]).astype(np.uint32)]

    def rounds(x, rots):
        for r in rots:
            a = (x[0] + x[1]).astype(np.uint32)
            b = a ^ rotl(x[1], r)
            x = [a, b]
        return x

    r0 = (13, 15, 26, 6)
    r1 = (17, 29, 16, 24)
    x = rounds(x, r0)
    x = [(x[0] + ks[1]).astype(np.uint32), (x[1] + ks[2] + _U32(1)).astype(np.uint32)]
    x = rounds(x, r1)
    x = [(x[0] + ks[2]).astype(np.uint32), (x[1] + ks[0] + _U32(2)).astype(np.uint32)]
    x = rounds(x, r0)
    x = [(x[0] + ks[0]).astype(np.uint32), (x[1] + ks[1] + _U32(3)).astype(np.uint32)]
    x = rounds(x, r1)
    x = [(x[0] + ks[1]).astype(np.uint32), (x[1] + ks[2] + _U32(4)).astype(np.uint32)]
    x = rounds(x, r0)
    x = [(x[0] + ks[2]).astype(np.uint32), (x[1] + ks[0] + _U32(5)).astype(np.uint32)]
    return x[0], x[1]


def _fold_in(key, data):
    o0, o1 = _tf2x32(key[0], key[1], _U32(data >> 32), _U32(data & 0xFFFFFFFF))
    return np.array([o0, o1], np.uint32)


def _split2(key):
    b1, b2 = _tf2x32(key[0], key[1], np.zeros(2, np.uint32),
                     np.arange(2, dtype=np.uint32))
    return (np.array([b1[0], b2[0]], np.uint32),
            np.array([b1[1], b2[1]], np.uint32))


def _np_permutation(key, n):
    x = np.arange(n, dtype=np.int32)
    num_rounds = int(np.ceil(3 * np.log(n) / np.log(np.iinfo(np.uint32).max)))
    for _ in range(num_rounds):
        key, subkey = _split2(key)
        b1, b2 = _tf2x32(subkey[0], subkey[1], np.zeros(n, np.uint32),
                         np.arange(n, dtype=np.uint32))
        x = x[np.argsort(b1 ^ b2, kind="stable")]
    return x


def _build_pix():
    base = np.array([0, 1234], np.uint32)
    out = np.zeros((3, B, G), np.int32)
    for j in range(3):
        kj = _fold_in(base, j)
        for i in range(B):
            out[j, i] = _np_permutation(_fold_in(kj, i), HW)[:G]
    return out


_pix_np = np.zeros((3, B, GP), np.int32)
with np.errstate(over="ignore"):
    _raw_pix = _build_pix()
for _b in range(B):
    _order = np.argsort(_raw_pix[0, _b], kind="stable")
    _raw_pix[:, _b, :] = _raw_pix[:, _b, _order]
_pix_np[:, :, :G] = _raw_pix
_scidx_np = (_pix_np + (np.arange(B, dtype=np.int32) * HW)[None, :, None]).reshape(NSLICE, NPW)

_RC = ((_pix_np // W) * 512 + (_pix_np % W)).astype(np.float32).reshape(
    3, B, 8, GP // 8)
_base_idx = _scidx_np.reshape(-1)
_SCIDX = _scidx_np



NW = 32
NPW2 = 3 * B * GP // NW
EIGHTH = GP // 8


QUARTER = GP // 4
SUBL = 8
LANES = GP // SUBL


def _sc_gather_body(targ_hbm, pred_hbm, idx_hbm, out_hbm, idx_v, rows_v, sem):
    c = lax.axis_index("c")
    s = lax.axis_index("s")
    pltpu.sync_copy(idx_hbm.at[s], idx_v)

    @pl.when(c == 0)
    def _():
        pltpu.async_copy(targ_hbm.at[idx_v], rows_v, sem).wait()

    @pl.when(c == 1)
    def _():
        pltpu.async_copy(pred_hbm.at[idx_v], rows_v, sem).wait()

    for q in range(3):
        qg = s * 3 + q
        j = qg // (4 * B)
        r = qg % (4 * B)
        b = r // 4
        qi = r % 4
        for h in range(2):
            pltpu.sync_copy(rows_v.at[pl.ds((q * 2 + h) * LANES, LANES)],
                            out_hbm.at[c, j, b, qi * 2 + h])


@functools.lru_cache(maxsize=None)
def _get_sc_gather():
    return pl.kernel(
        _sc_gather_body,
        out_type=jax.ShapeDtypeStruct((2, 3, B, SUBL, LANES), jnp.float32),
        mesh=plsc.VectorSubcoreMesh(core_axis_name="c", subcore_axis_name="s"),
        scratch_types=[
            pltpu.VMEM((NPW,), jnp.int32),
            pltpu.VMEM((NPW,), jnp.float32),
            pltpu.SemaphoreType.DMA,
        ],
    )



def _sub3(a, b):
    return (a[0] - b[0], a[1] - b[1], a[2] - b[2])


def _dot3(a, b):
    return a[0] * b[0] + a[1] * b[1] + a[2] * b[2]


def _cross3(a, b):
    return (a[1] * b[2] - a[2] * b[1],
            a[2] * b[0] - a[0] * b[2],
            a[0] * b[1] - a[1] * b[0])


def _tc_loss_body(gat_ref, pix_ref, intr_ref, out_ref, acc):
    pid = pl.program_id(0)

    @pl.when(pid == 0)
    def _():
        acc[0] = 0.0
        acc[1] = 0.0

    rf = 1.0 / intr_ref[pid, 0]
    u0 = intr_ref[pid, 2]
    v0 = intr_ref[pid, 5]

    gat = gat_ref[...]
    rc = pix_ref[...]
    rowf = jnp.floor(rc * (1.0 / 512.0))
    colf = rc - rowf * 512.0

    gt, pr = [], []
    for k in range(3):
        cu = (colf[k, 0] - u0) * rf
        cv = (rowf[k, 0] - v0) * rf
        zt = gat[0, k, 0]
        zp = gat[1, k, 0]
        gt.append((cu * zt, cv * zt, zt))
        pr.append((cu * zp, cv * zp, zp))

    ds = (_sub3(gt[1], gt[0]), _sub3(gt[2], gt[0]), _sub3(gt[2], gt[1]))
    e = [[None] * 3 for _ in range(3)]
    for a in range(3):
        for b in range(a, 3):
            e[a][b] = _dot3(ds[a], ds[b])
            e[b][a] = e[a][b]
    qn = [jnp.sqrt(e[a][a]) for a in range(3)]

    hit = {}
    for a in range(3):
        for b in range(a, 3):
            thr = DELTA_COS * (qn[a] * qn[b] + EPS)
            hit[(a, b)] = (jnp.abs(e[a][b]) > thr).astype(jnp.int32)
    cnt = (hit[(0, 0)] + hit[(1, 1)] + hit[(2, 2)]
           + 2 * (hit[(0, 1)] + hit[(0, 2)] + hit[(1, 2)]))
    mask_cos = cnt > 3
    mask_pad = (gt[0][2] > DELTA_Z) & (gt[1][2] > DELTA_Z) & (gt[2][2] > DELTA_Z)
    mxyz = []
    for coord in range(3):
        mxyz.append((jnp.abs(ds[0][coord]) < DXYZ)
                    | (jnp.abs(ds[1][coord]) < DXYZ)
                    | (jnp.abs(ds[2][coord]) < DXYZ))
    keep = mask_pad & ~((mxyz[0] & mxyz[1] & mxyz[2]) | mask_cos)

    zc = [pr[k][2] == 0.0 for k in range(3)]
    prq = []
    for k in range(3):
        prq.append((jnp.where(zc[0], 1e-4, pr[k][0]),
                    jnp.where(zc[1], 1e-4, pr[k][1]),
                    jnp.where(zc[2], 1e-4, pr[k][2])))

    pp12 = _sub3(prq[1], prq[0])
    pp13 = _sub3(prq[2], prq[0])
    gn = _cross3(ds[0], ds[1])
    pn = _cross3(pp12, pp13)
    gnn = jnp.sqrt(_dot3(gn, gn))
    pnn = jnp.sqrt(_dot3(pn, pn))
    ign = 1.0 / (gnn + (gnn == 0.0).astype(jnp.float32) * EPS)
    ipn = 1.0 / (pnn + (pnn == 0.0).astype(jnp.float32) * EPS)
    lm = (jnp.abs(gn[0] * ign - pn[0] * ipn)
          + jnp.abs(gn[1] * ign - pn[1] * ipn)
          + jnp.abs(gn[2] * ign - pn[2] * ipn))

    gidx = (lax.broadcasted_iota(jnp.int32, (SUBL, LANES), 0) * LANES
            + lax.broadcasted_iota(jnp.int32, (SUBL, LANES), 1))
    w = (keep & (gidx < G)).astype(jnp.float32)
    acc[0] += jnp.sum(lm * w)
    acc[1] += jnp.sum(w)

    @pl.when(pid == B - 1)
    def _():
        out_ref[0, 0] = acc[0] / (acc[1] * 3.0 + EPS)


_tc_loss = pl.pallas_call(
    _tc_loss_body,
    grid=(B,),
    in_specs=[
        pl.BlockSpec((2, 3, 1, SUBL, LANES), lambda i: (0, 0, i, 0, 0)),
        pl.BlockSpec((3, 1, SUBL, LANES), lambda i: (0, i, 0, 0)),
        pl.BlockSpec(memory_space=pltpu.SMEM),
    ],
    out_specs=pl.BlockSpec((1, 1), lambda i: (0, 0), memory_space=pltpu.SMEM),
    out_shape=jax.ShapeDtypeStruct((1, 1), jnp.float32),
    scratch_shapes=[pltpu.SMEM((2,), jnp.float32)],
)


def kernel(prediction, target, mask, intrinsic):
    targ_flat = target.reshape(B * HW)
    pred_flat = prediction.reshape(B * HW)
    gat = _get_sc_gather()(targ_flat, pred_flat, _SCIDX)
    out = _tc_loss(gat, _RC, intrinsic.reshape(B, 9))
    return out.reshape(())

# --- scband reference (transcript-rebuilt; emitter-appended) ---
"""Pipeline reference for scband-vnloss-34505767256605 (READ-ONLY COPY).

The authoritative reference and input builder live on the scoring server;
editing this copy changes nothing except your own understanding.
"""

import jax, jax.numpy as jnp
import numpy as np

B, C, H, W = 4, 1, 384, 384
DELTA_COS = 0.867
DELTA_Z = 1e-05
SAMPLE_RATIO = 0.2
EPS = 1e-06


def setup_inputs(seed: int = 0):
    key = jax.random.key(seed)
    k1, k2, k3 = jax.random.split(key, 3)
    prediction = jax.random.uniform(k1, (B, C, H, W), dtype=jnp.float32)
    target = jax.random.uniform(k2, (B, C, H, W), dtype=jnp.float32)
    mask = jnp.ones((B, C, H, W), dtype=jnp.float32)
    intrinsic = jax.random.uniform(k3, (B, 3, 3), dtype=jnp.float32)
    return {"prediction": prediction, "target": target, "mask": mask, "intrinsic": intrinsic}


def _image_coords(intrinsic, height, width):
    u0 = intrinsic[:, 0, 2][:, None, None, None]
    v0 = intrinsic[:, 1, 2][:, None, None, None]
    y, x = jnp.meshgrid(jnp.arange(height, dtype=jnp.float32), jnp.arange(width, dtype=jnp.float32), indexing="ij")
    u_m_u0 = x[None, None, :, :] - u0
    v_m_v0 = y[None, None, :, :] - v0
    return u_m_u0, v_m_v0


def _transfer_xyz(depth, focal, u_m_u0, v_m_v0):
    x = u_m_u0 * depth / focal
    y = v_m_v0 * depth / focal
    z = depth
    return jnp.concatenate([x, y, z], axis=1).transpose(0, 2, 3, 1)


def _select_index():
    # mask is all ones -> every pixel is valid, sample_num == intend_sample_num, no padding
    intend = int(H * W * SAMPLE_RATIO)
    base = jax.random.key(1234)
    ps = []
    for j in range(3):
        rows = []
        for i in range(B):
            k = jax.random.fold_in(jax.random.fold_in(base, j), i)
            rows.append(jax.random.permutation(k, H * W)[:intend])
        ps.append(jnp.stack(rows, axis=0))
    p1, p2, p3 = ps
    return {"p1_x": p1 % W, "p1_y": p1 // W, "p2_x": p2 % W, "p2_y": p2 // W, "p3_x": p3 % W, "p3_y": p3 // W}


def _form_pw_groups(p123, pw):
    groups = []
    for i in range(B):
        pw1 = pw[i, p123["p1_y"][i], p123["p1_x"][i], :]
        pw2 = pw[i, p123["p2_y"][i], p123["p2_x"][i], :]
        pw3 = pw[i, p123["p3_y"][i], p123["p3_x"][i], :]
        groups.append(jnp.stack([pw1, pw2, pw3], axis=2))
    return jnp.stack(groups, axis=0)  # [B, G, 3coords, 3points]


def _filter_mask(p123, gt_xyz, delta_cos=0.867, dx=0.005, dy=0.005, dz=0.005):
    pw = _form_pw_groups(p123, gt_xyz)
    pw12 = pw[:, :, :, 1] - pw[:, :, :, 0]
    pw13 = pw[:, :, :, 2] - pw[:, :, :, 0]
    pw23 = pw[:, :, :, 2] - pw[:, :, :, 1]
    pw_diff = jnp.stack([pw12, pw13, pw23], axis=3)  # [B, G, 3coords, 3pairs]
    m, g = pw.shape[0], pw.shape[1]
    proj_key = pw_diff.reshape(m * g, 3, 3)
    proj_query = proj_key.transpose(0, 2, 1)
    q_norm = jnp.linalg.norm(proj_query, axis=2)
    nm = q_norm[:, :, None] * q_norm[:, None, :]
    energy = jnp.matmul(proj_query, proj_key)
    norm_energy = (energy / (nm + EPS)).reshape(m * g, -1)
    mask_cos = jnp.sum((norm_energy > delta_cos).astype(jnp.int32) + (norm_energy < -delta_cos).astype(jnp.int32), axis=1) > 3
    mask_cos = mask_cos.reshape(m, g)
    mask_pad = jnp.sum((pw[:, :, 2, :] > DELTA_Z).astype(jnp.int32), axis=2) == 3
    mask_x = jnp.sum((jnp.abs(pw_diff[:, :, 0, :]) < dx).astype(jnp.int32), axis=2) > 0
    mask_y = jnp.sum((jnp.abs(pw_diff[:, :, 1, :]) < dy).astype(jnp.int32), axis=2) > 0
    mask_z = jnp.sum((jnp.abs(pw_diff[:, :, 2, :]) < dz).astype(jnp.int32), axis=2) > 0
    mask_ignore = (mask_x & mask_y & mask_z) | mask_cos
    return mask_pad & (~mask_ignore), pw


def _vn_loss(prediction, target, mask, intrinsic):
    u_m_u0, v_m_v0 = _image_coords(intrinsic, H, W)
    focal = intrinsic[:, 0, 0][:, None, None, None]
    pw_gt = _transfer_xyz(target, focal, u_m_u0, v_m_v0)
    pw_pred = _transfer_xyz(prediction, focal, u_m_u0, v_m_v0)
    p123 = _select_index()
    keep, pw_groups_gt = _filter_mask(p123, pw_gt, DELTA_COS, 0.005, 0.005, 0.005)
    pw_groups_pred = _form_pw_groups(p123, pw_pred)
    zero_cond = pw_groups_pred[:, :, 2, :] == 0
    pw_groups_pred = jnp.where(zero_cond[:, :, :, None], 0.0001, pw_groups_pred)
    gt_p12 = pw_groups_gt[:, :, :, 1] - pw_groups_gt[:, :, :, 0]
    gt_p13 = pw_groups_gt[:, :, :, 2] - pw_groups_gt[:, :, :, 0]
    pred_p12 = pw_groups_pred[:, :, :, 1] - pw_groups_pred[:, :, :, 0]
    pred_p13 = pw_groups_pred[:, :, :, 2] - pw_groups_pred[:, :, :, 0]
    gt_normal = jnp.cross(gt_p12, gt_p13, axis=2)
    pred_normal = jnp.cross(pred_p12, pred_p13, axis=2)
    pred_norm = jnp.linalg.norm(pred_normal, axis=2, keepdims=True)
    gt_norm = jnp.linalg.norm(gt_normal, axis=2, keepdims=True)
    pred_norm = pred_norm + (pred_norm == 0.0).astype(jnp.float32) * EPS
    gt_norm = gt_norm + (gt_norm == 0.0).astype(jnp.float32) * EPS
    gt_normal = gt_normal / gt_norm
    pred_normal = pred_normal / pred_norm
    loss_map = jnp.abs(gt_normal - pred_normal)  # [B, G, 3]
    w = keep.astype(jnp.float32)[:, :, None]
    denom = jnp.sum(w) * 3.0 + EPS
    return jnp.sum(loss_map * w) / denom


def reference(prediction, target, mask, intrinsic):
    return _vn_loss(prediction, target, mask, intrinsic)

if __name__ == "__main__":
    import jax
    _d = setup_inputs()
    print(jax.jit(kernel)(*tuple(_d.values())))

</pallas_src>

<mosaic_0001>
#map = affine_map<(d0, d1) -> (0)>
#map1 = affine_map<(d0, d1) -> (0, 0)>
#map2 = affine_map<(d0, d1) -> (0, 0, 0, 0, 0)>
module attributes {stable_mosaic.version = 14 : i64} {
  func.func @_sc_gather_body(%arg0: i32, %arg1: i32, %arg2: memref<589824xf32, #tpu.memory_space<hbm>>, %arg3: memref<589824xf32, #tpu.memory_space<hbm>>, %arg4: memref<16x22272xi32, #tpu.memory_space<hbm>>, %arg5: memref<2x3x4x8x3712xf32, #tpu.memory_space<hbm>>, %arg6: memref<22272xi32, #tpu.memory_space<vmem>>, %arg7: memref<22272xf32, #tpu.memory_space<vmem>>, %arg8: memref<!tpu.dma_semaphore, #tpu.memory_space<semaphore_mem>>) attributes {dimension_semantics = [#tpu.dimension_semantics<core_parallel>, #tpu.dimension_semantics<subcore_parallel>], iteration_bounds = array<i64: 2, 16>, scalar_prefetch = 0 : i64, scratch_operands = 3 : i64, tpu.core_type = #tpu.core_type<sc_vector_subcore>, window_params = [{transform_indices = #map}, {transform_indices = #map}, {transform_indices = #map1}, {transform_indices = #map2}]} {
    "tpu.region"() ({
      %run_scoped3A = tpu.sem_alloc : memref<!tpu.dma_semaphore, #tpu.memory_space<semaphore_mem>>
      %dma_start3A = arith.constant 0 : i32
      %dma_start3A_272 = tpu.memref_slice %arg4[%arg1, %dma_start3A] : memref<16x22272xi32, #tpu.memory_space<hbm>> -> memref<1x22272xi32, #tpu.memory_space<hbm>>
      %dma_start3A_273 = tpu.memref_squeeze %dma_start3A_272 : memref<1x22272xi32, #tpu.memory_space<hbm>> -> memref<22272xi32, #tpu.memory_space<hbm>>
      %dma_start3A_274 = arith.constant 0 : i32
      %dma_start3A_275 = tpu.memref_slice %arg4[%arg1, %dma_start3A_274] : memref<16x22272xi32, #tpu.memory_space<hbm>> -> memref<1x22272xi32, #tpu.memory_space<hbm>>
      %dma_start3A_276 = tpu.memref_squeeze %dma_start3A_275 : memref<1x22272xi32, #tpu.memory_space<hbm>> -> memref<22272xi32, #tpu.memory_space<hbm>>
      tpu.enqueue_dma source(%dma_start3A_276 : memref<22272xi32, #tpu.memory_space<hbm>>) target(%arg6 : memref<22272xi32, #tpu.memory_space<vmem>>) target_semaphore(%run_scoped3A : memref<!tpu.dma_semaphore, #tpu.memory_space<semaphore_mem>>)
      %dma_wait3A = arith.constant 0 : i32
      %dma_wait3A_277 = tpu.memref_slice %arg4[%arg1, %dma_wait3A] : memref<16x22272xi32, #tpu.memory_space<hbm>> -> memref<1x22272xi32, #tpu.memory_space<hbm>>
      %dma_wait3A_278 = tpu.memref_squeeze %dma_wait3A_277 : memref<1x22272xi32, #tpu.memory_space<hbm>> -> memref<22272xi32, #tpu.memory_space<hbm>>
      %dma_wait3A_279 = arith.constant 0 : i32
      %dma_wait3A_280 = tpu.memref_slice %arg4[%arg1, %dma_wait3A_279] : memref<16x22272xi32, #tpu.memory_space<hbm>> -> memref<1x22272xi32, #tpu.memory_space<hbm>>
      %dma_wait3A_281 = tpu.memref_squeeze %dma_wait3A_280 : memref<1x22272xi32, #tpu.memory_space<hbm>> -> memref<22272xi32, #tpu.memory_space<hbm>>
      tpu.wait_dma2 semaphore(%run_scoped3A : memref<!tpu.dma_semaphore, #tpu.memory_space<semaphore_mem>>) src(%dma_wait3A_281 : memref<22272xi32, #tpu.memory_space<hbm>>) dst(%arg6 : memref<22272xi32, #tpu.memory_space<vmem>>)
      tpu.yield
    }) : () -> ()
    %eq3A = arith.constant 0 : i32
    %eq3A_0 = arith.cmpi eq, %arg0, %eq3A : i32
    %convert_element_type3A = arith.extui %eq3A_0 : i1 to i32
    %cond3A = arith.constant 0 : i32
    %cond3A_1 = arith.cmpi ne, %convert_element_type3A, %cond3A : i32
    scf.if %cond3A_1 {
      %dma_start3A = arith.constant 0 : i32
      %dma_start3A_272 = tpu.memref_slice %arg2[%dma_start3A] : memref<589824xf32, #tpu.memory_space<hbm>> -> memref<589824xf32, #tpu.memory_space<hbm>>
      tpu.enqueue_indirect_dma source(%dma_start3A_272 : memref<589824xf32, #tpu.memory_space<hbm>>) target(%arg7 : memref<22272xf32, #tpu.memory_space<vmem>>) offsets(%arg6 : memref<22272xi32, #tpu.memory_space<vmem>>) semaphore(%arg8 : memref<!tpu.dma_semaphore, #tpu.memory_space<semaphore_mem>>)
      %dma_wait3A = arith.constant 0 : i32
      %dma_wait3A_273 = tpu.memref_slice %arg2[%dma_wait3A] : memref<589824xf32, #tpu.memory_space<hbm>> -> memref<589824xf32, #tpu.memory_space<hbm>>
      tpu.wait_indirect_dma semaphore(%arg8 : memref<!tpu.dma_semaphore, #tpu.memory_space<semaphore_mem>>) src(%dma_wait3A_273 : memref<589824xf32, #tpu.memory_space<hbm>>) dst(%arg7 : memref<22272xf32, #tpu.memory_space<vmem>>)
    } else {
    }
    %eq3A_2 = arith.constant 1 : i32
    %eq3A_3 = arith.cmpi eq, %arg0, %eq3A_2 : i32
    %convert_element_type3A_4 = arith.extui %eq3A_3 : i1 to i32
    %cond3A_5 = arith.constant 0 : i32
    %cond3A_6 = arith.cmpi ne, %convert_element_type3A_4, %cond3A_5 : i32
    scf.if %cond3A_6 {
      %dma_start3A = arith.constant 0 : i32
      %dma_start3A_272 = tpu.memref_slice %arg3[%dma_start3A] : memref<589824xf32, #tpu.memory_space<hbm>> -> memref<589824xf32, #tpu.memory_space<hbm>>
      tpu.enqueue_indirect_dma source(%dma_start3A_272 : memref<589824xf32, #tpu.memory_space<hbm>>) target(%arg7 : memref<22272xf32, #tpu.memory_space<vmem>>) offsets(%arg6 : memref<22272xi32, #tpu.memory_space<vmem>>) semaphore(%arg8 : memref<!tpu.dma_semaphore, #tpu.memory_space<semaphore_mem>>)
      %dma_wait3A = arith.constant 0 : i32
      %dma_wait3A_273 = tpu.memref_slice %arg3[%dma_wait3A] : memref<589824xf32, #tpu.memory_space<hbm>> -> memref<589824xf32, #tpu.memory_space<hbm>>
      tpu.wait_indirect_dma semaphore(%arg8 : memref<!tpu.dma_semaphore, #tpu.memory_space<semaphore_mem>>) src(%dma_wait3A_273 : memref<589824xf32, #tpu.memory_space<hbm>>) dst(%arg7 : memref<22272xf32, #tpu.memory_space<vmem>>)
    } else {
    }
    %mul3A = arith.constant 3 : i32
    %mul3A_7 = arith.muli %arg1, %mul3A : i32
    %add3A = arith.constant 0 : i32
    %add3A_8 = arith.addi %mul3A_7, %add3A : i32
    %jit3A = arith.constant 16 : i32
    %div3A = arith.divsi %add3A_8, %jit3A : i32
    %sign3A = arith.constant 0 : i32
    %sign3A_9 = arith.cmpi sgt, %add3A_8, %sign3A : i32
    %sign3A_10 = arith.extui %sign3A_9 : i1 to i32
    %sign3A_11 = arith.constant 0 : i32
    %sign3A_12 = arith.cmpi slt, %add3A_8, %sign3A_11 : i32
    %sign3A_13 = arith.extui %sign3A_12 : i1 to i32
    %sign3A_14 = arith.subi %sign3A_10, %sign3A_13 : i32
    %sign3A_15 = arith.constant 0 : i32
    %sign3A_16 = arith.cmpi sgt, %jit3A, %sign3A_15 : i32
    %sign3A_17 = arith.extui %sign3A_16 : i1 to i32
    %sign3A_18 = arith.constant 0 : i32
    %sign3A_19 = arith.cmpi slt, %jit3A, %sign3A_18 : i32
    %sign3A_20 = arith.extui %sign3A_19 : i1 to i32
    %sign3A_21 = arith.subi %sign3A_17, %sign3A_20 : i32
    %ne3A = arith.cmpi ne, %sign3A_14, %sign3A_21 : i32
    %rem3A = arith.remsi %add3A_8, %jit3A : i32
    %ne3A_22 = arith.constant 0 : i32
    %ne3A_23 = arith.cmpi ne, %rem3A, %ne3A_22 : i32
    %and3A = arith.andi %ne3A, %ne3A_23 : i1
    %sub3A = arith.constant 1 : i32
    %sub3A_24 = arith.subi %div3A, %sub3A : i32
    %select_n3A = arith.select %and3A, %sub3A_24, %div3A : i32
    %jit3A_25 = arith.constant 16 : i32
    %eq3A_26 = arith.constant 0 : i32
    %eq3A_27 = arith.cmpi eq, %jit3A_25, %eq3A_26 : i32
    %jit3A_28 = arith.constant 1 : i32
    %select_n3A_29 = arith.select %eq3A_27, %jit3A_28, %jit3A_25 : i32
    %rem3A_30 = arith.remsi %add3A_8, %select_n3A_29 : i32
    %ne3A_31 = arith.constant 0 : i32
    %ne3A_32 = arith.cmpi ne, %rem3A_30, %ne3A_31 : i32
    %lt3A = arith.constant 0 : i32
    %lt3A_33 = arith.cmpi slt, %rem3A_30, %lt3A : i32
    %lt3A_34 = arith.constant 0 : i32
    %lt3A_35 = arith.cmpi slt, %select_n3A_29, %lt3A_34 : i32
    %ne3A_36 = arith.xori %lt3A_33, %lt3A_35 : i1
    %and3A_37 = arith.andi %ne3A_36, %ne3A_32 : i1
    %add3A_38 = arith.addi %rem3A_30, %select_n3A_29 : i32
    %select_n3A_39 = arith.select %and3A_37, %add3A_38, %rem3A_30 : i32
    %jit3A_40 = arith.constant 4 : i32
    %div3A_41 = arith.divsi %select_n3A_39, %jit3A_40 : i32
    %sign3A_42 = arith.constant 0 : i32
    %sign3A_43 = arith.cmpi sgt, %select_n3A_39, %sign3A_42 : i32
    %sign3A_44 = arith.extui %sign3A_43 : i1 to i32
    %sign3A_45 = arith.constant 0 : i32
    %sign3A_46 = arith.cmpi slt, %select_n3A_39, %sign3A_45 : i32
    %sign3A_47 = arith.extui %sign3A_46 : i1 to i32
    %sign3A_48 = arith.subi %sign3A_44, %sign3A_47 : i32
    %sign3A_49 = arith.constant 0 : i32
    %sign3A_50 = arith.cmpi sgt, %jit3A_40, %sign3A_49 : i32
    %sign3A_51 = arith.extui %sign3A_50 : i1 to i32
    %sign3A_52 = arith.constant 0 : i32
    %sign3A_53 = arith.cmpi slt, %jit3A_40, %sign3A_52 : i32
    %sign3A_54 = arith.extui %sign3A_53 : i1 to i32
    %sign3A_55 = arith.subi %sign3A_51, %sign3A_54 : i32
    %ne3A_56 = arith.cmpi ne, %sign3A_48, %sign3A_55 : i32
    %rem3A_57 = arith.remsi %select_n3A_39, %jit3A_40 : i32
    %ne3A_58 = arith.constant 0 : i32
    %ne3A_59 = arith.cmpi ne, %rem3A_57, %ne3A_58 : i32
    %and3A_60 = arith.andi %ne3A_56, %ne3A_59 : i1
    %sub3A_61 = arith.constant 1 : i32
    %sub3A_62 = arith.subi %div3A_41, %sub3A_61 : i32
    %select_n3A_63 = arith.select %and3A_60, %sub3A_62, %div3A_41 : i32
    %jit3A_64 = arith.constant 4 : i32
    %eq3A_65 = arith.constant 0 : i32
    %eq3A_66 = arith.cmpi eq, %jit3A_64, %eq3A_65 : i32
    %jit3A_67 = arith.constant 1 : i32
    %select_n3A_68 = arith.select %eq3A_66, %jit3A_67, %jit3A_64 : i32
    %rem3A_69 = arith.remsi %select_n3A_39, %select_n3A_68 : i32
    %ne3A_70 = arith.constant 0 : i32
    %ne3A_71 = arith.cmpi ne, %rem3A_69, %ne3A_70 : i32
    %lt3A_72 = arith.constant 0 : i32
    %lt3A_73 = arith.cmpi slt, %rem3A_69, %lt3A_72 : i32
    %lt3A_74 = arith.constant 0 : i32
    %lt3A_75 = arith.cmpi slt, %select_n3A_68, %lt3A_74 : i32
    %ne3A_76 = arith.xori %lt3A_73, %lt3A_75 : i1
    %and3A_77 = arith.andi %ne3A_76, %ne3A_71 : i1
    %add3A_78 = arith.addi %rem3A_69, %select_n3A_68 : i32
    %select_n3A_79 = arith.select %and3A_77, %add3A_78, %rem3A_69 : i32
    %mul3A_80 = arith.constant 2 : i32
    %mul3A_81 = arith.muli %select_n3A_79, %mul3A_80 : i32
    %add3A_82 = arith.constant 0 : i32
    %add3A_83 = arith.addi %mul3A_81, %add3A_82 : i32
    "tpu.region"() ({
      %run_scoped3A = tpu.sem_alloc : memref<!tpu.dma_semaphore, #tpu.memory_space<semaphore_mem>>
      %dma_start3A = arith.constant 0 : i32
      %dma_start3A_272 = tpu.memref_slice %arg7[%dma_start3A] : memref<22272xf32, #tpu.memory_space<vmem>> -> memref<3712xf32, #tpu.memory_space<vmem>>
      %dma_start3A_273 = arith.constant 0 : i32
      %dma_start3A_274 = tpu.memref_slice %arg5[%arg0, %select_n3A, %select_n3A_63, %add3A_83, %dma_start3A_273] : memref<2x3x4x8x3712xf32, #tpu.memory_space<hbm>> -> memref<1x1x1x1x3712xf32, #tpu.memory_space<hbm>>
      %dma_start3A_275 = tpu.memref_squeeze %dma_start3A_274 : memref<1x1x1x1x3712xf32, #tpu.memory_space<hbm>> -> memref<3712xf32, #tpu.memory_space<hbm>>
      %dma_start3A_276 = arith.constant 0 : i32
      %dma_start3A_277 = tpu.memref_slice %arg5[%arg0, %select_n3A, %select_n3A_63, %add3A_83, %dma_start3A_276] : memref<2x3x4x8x3712xf32, #tpu.memory_space<hbm>> -> memref<1x1x1x1x3712xf32, #tpu.memory_space<hbm>>
      %dma_start3A_278 = tpu.memref_squeeze %dma_start3A_277 : memref<1x1x1x1x3712xf32, #tpu.memory_space<hbm>> -> memref<3712xf32, #tpu.memory_space<hbm>>
      %dma_start3A_279 = arith.constant 0 : i32
      %dma_start3A_280 = tpu.memref_slice %arg7[%dma_start3A_279] : memref<22272xf32, #tpu.memory_space<vmem>> -> memref<3712xf32, #tpu.memory_space<vmem>>
      tpu.enqueue_dma source(%dma_start3A_280 : memref<3712xf32, #tpu.memory_space<vmem>>) target(%dma_start3A_278 : memref<3712xf32, #tpu.memory_space<hbm>>) target_semaphore(%run_scoped3A : memref<!tpu.dma_semaphore, #tpu.memory_space<semaphore_mem>>)
      %dma_wait3A = arith.constant 0 : i32
      %dma_wait3A_281 = tpu.memref_slice %arg7[%dma_wait3A] : memref<22272xf32, #tpu.memory_space<vmem>> -> memref<3712xf32, #tpu.memory_space<vmem>>
      %dma_wait3A_282 = arith.constant 0 : i32
      %dma_wait3A_283 = tpu.memref_slice %arg5[%arg0, %select_n3A, %select_n3A_63, %add3A_83, %dma_wait3A_282] : memref<2x3x4x8x3712xf32, #tpu.memory_space<hbm>> -> memref<1x1x1x1x3712xf32, #tpu.memory_space<hbm>>
      %dma_wait3A_284 = tpu.memref_squeeze %dma_wait3A_283 : memref<1x1x1x1x3712xf32, #tpu.memory_space<hbm>> -> memref<3712xf32, #tpu.memory_space<hbm>>
      %dma_wait3A_285 = arith.constant 0 : i32
      %dma_wait3A_286 = tpu.memref_slice %arg5[%arg0, %select_n3A, %select_n3A_63, %add3A_83, %dma_wait3A_285] : memref<2x3x4x8x3712xf32, #tpu.memory_space<hbm>> -> memref<1x1x1x1x3712xf32, #tpu.memory_space<hbm>>
      %dma_wait3A_287 = tpu.memref_squeeze %dma_wait3A_286 : memref<1x1x1x1x3712xf32, #tpu.memory_space<hbm>> -> memref<3712xf32, #tpu.memory_space<hbm>>
      %dma_wait3A_288 = arith.constant 0 : i32
      %dma_wait3A_289 = tpu.memref_slice %arg7[%dma_wait3A_288] : memref<22272xf32, #tpu.memory_space<vmem>> -> memref<3712xf32, #tpu.memory_space<vmem>>
      tpu.wait_dma2 semaphore(%run_scoped3A : memref<!tpu.dma_semaphore, #tpu.memory_space<semaphore_mem>>) src(%dma_wait3A_289 : memref<3712xf32, #tpu.memory_space<vmem>>) dst(%dma_wait3A_287 : memref<3712xf32, #tpu.memory_space<hbm>>)
      tpu.yield
    }) : () -> ()
    %mul3A_84 = arith.constant 2 : i32
    %mul3A_85 = arith.muli %select_n3A_79, %mul3A_84 : i32
    %add3A_86 = arith.constant 1 : i32
    %add3A_87 = arith.addi %mul3A_85, %add3A_86 : i32
    "tpu.region"() ({
      %run_scoped3A = tpu.sem_alloc : memref<!tpu.dma_semaphore, #tpu.memory_space<semaphore_mem>>
      %dma_start3A = arith.constant 3712 : i32
      %dma_start3A_272 = tpu.memref_slice %arg7[%dma_start3A] : memref<22272xf32, #tpu.memory_space<vmem>> -> memref<3712xf32, #tpu.memory_space<vmem>>
      %dma_start3A_273 = arith.constant 0 : i32
      %dma_start3A_274 = tpu.memref_slice %arg5[%arg0, %select_n3A, %select_n3A_63, %add3A_87, %dma_start3A_273] : memref<2x3x4x8x3712xf32, #tpu.memory_space<hbm>> -> memref<1x1x1x1x3712xf32, #tpu.memory_space<hbm>>
      %dma_start3A_275 = tpu.memref_squeeze %dma_start3A_274 : memref<1x1x1x1x3712xf32, #tpu.memory_space<hbm>> -> memref<3712xf32, #tpu.memory_space<hbm>>
      %dma_start3A_276 = arith.constant 0 : i32
      %dma_start3A_277 = tpu.memref_slice %arg5[%arg0, %select_n3A, %select_n3A_63, %add3A_87, %dma_start3A_276] : memref<2x3x4x8x3712xf32, #tpu.memory_space<hbm>> -> memref<1x1x1x1x3712xf32, #tpu.memory_space<hbm>>
      %dma_start3A_278 = tpu.memref_squeeze %dma_start3A_277 : memref<1x1x1x1x3712xf32, #tpu.memory_space<hbm>> -> memref<3712xf32, #tpu.memory_space<hbm>>
      %dma_start3A_279 = arith.constant 3712 : i32
      %dma_start3A_280 = tpu.memref_slice %arg7[%dma_start3A_279] : memref<22272xf32, #tpu.memory_space<vmem>> -> memref<3712xf32, #tpu.memory_space<vmem>>
      tpu.enqueue_dma source(%dma_start3A_280 : memref<3712xf32, #tpu.memory_space<vmem>>) target(%dma_start3A_278 : memref<3712xf32, #tpu.memory_space<hbm>>) target_semaphore(%run_scoped3A : memref<!tpu.dma_semaphore, #tpu.memory_space<semaphore_mem>>)
      %dma_wait3A = arith.constant 3712 : i32
      %dma_wait3A_281 = tpu.memref_slice %arg7[%dma_wait3A] : memref<22272xf32, #tpu.memory_space<vmem>> -> memref<3712xf32, #tpu.memory_space<vmem>>
      %dma_wait3A_282 = arith.constant 0 : i32
      %dma_wait3A_283 = tpu.memref_slice %arg5[%arg0, %select_n3A, %select_n3A_63, %add3A_87, %dma_wait3A_282] : memref<2x3x4x8x3712xf32, #tpu.memory_space<hbm>> -> memref<1x1x1x1x3712xf32, #tpu.memory_space<hbm>>
      %dma_wait3A_284 = tpu.memref_squeeze %dma_wait3A_283 : memref<1x1x1x1x3712xf32, #tpu.memory_space<hbm>> -> memref<3712xf32, #tpu.memory_space<hbm>>
      %dma_wait3A_285 = arith.constant 0 : i32
      %dma_wait3A_286 = tpu.memref_slice %arg5[%arg0, %select_n3A, %select_n3A_63, %add3A_87, %dma_wait3A_285] : memref<2x3x4x8x3712xf32, #tpu.memory_space<hbm>> -> memref<1x1x1x1x3712xf32, #tpu.memory_space<hbm>>
      %dma_wait3A_287 = tpu.memref_squeeze %dma_wait3A_286 : memref<1x1x1x1x3712xf32, #tpu.memory_space<hbm>> -> memref<3712xf32, #tpu.memory_space<hbm>>
      %dma_wait3A_288 = arith.constant 3712 : i32
      %dma_wait3A_289 = tpu.memref_slice %arg7[%dma_wait3A_288] : memref<22272xf32, #tpu.memory_space<vmem>> -> memref<3712xf32, #tpu.memory_space<vmem>>
      tpu.wait_dma2 semaphore(%run_scoped3A : memref<!tpu.dma_semaphore, #tpu.memory_space<semaphore_mem>>) src(%dma_wait3A_289 : memref<3712xf32, #tpu.memory_space<vmem>>) dst(%dma_wait3A_287 : memref<3712xf32, #tpu.memory_space<hbm>>)
      tpu.yield
    }) : () -> ()
    %mul3A_88 = arith.constant 3 : i32
    %mul3A_89 = arith.muli %arg1, %mul3A_88 : i32
    %add3A_90 = arith.constant 1 : i32
    %add3A_91 = arith.addi %mul3A_89, %add3A_90 : i32
    %jit3A_92 = arith.constant 16 : i32
    %div3A_93 = arith.divsi %add3A_91, %jit3A_92 : i32
    %sign3A_94 = arith.constant 0 : i32
    %sign3A_95 = arith.cmpi sgt, %add3A_91, %sign3A_94 : i32
    %sign3A_96 = arith.extui %sign3A_95 : i1 to i32
    %sign3A_97 = arith.constant 0 : i32
    %sign3A_98 = arith.cmpi slt, %add3A_91, %sign3A_97 : i32
    %sign3A_99 = arith.extui %sign3A_98 : i1 to i32
    %sign3A_100 = arith.subi %sign3A_96, %sign3A_99 : i32
    %sign3A_101 = arith.constant 0 : i32
    %sign3A_102 = arith.cmpi sgt, %jit3A_92, %sign3A_101 : i32
    %sign3A_103 = arith.extui %sign3A_102 : i1 to i32
    %sign3A_104 = arith.constant 0 : i32
    %sign3A_105 = arith.cmpi slt, %jit3A_92, %sign3A_104 : i32
    %sign3A_106 = arith.extui %sign3A_105 : i1 to i32
    %sign3A_107 = arith.subi %sign3A_103, %sign3A_106 : i32
    %ne3A_108 = arith.cmpi ne, %sign3A_100, %sign3A_107 : i32
    %rem3A_109 = arith.remsi %add3A_91, %jit3A_92 : i32
    %ne3A_110 = arith.constant 0 : i32
    %ne3A_111 = arith.cmpi ne, %rem3A_109, %ne3A_110 : i32
    %and3A_112 = arith.andi %ne3A_108, %ne3A_111 : i1
    %sub3A_113 = arith.constant 1 : i32
    %sub3A_114 = arith.subi %div3A_93, %sub3A_113 : i32
    %select_n3A_115 = arith.select %and3A_112, %sub3A_114, %div3A_93 : i32
    %jit3A_116 = arith.constant 16 : i32
    %eq3A_117 = arith.constant 0 : i32
    %eq3A_118 = arith.cmpi eq, %jit3A_116, %eq3A_117 : i32
    %jit3A_119 = arith.constant 1 : i32
    %select_n3A_120 = arith.select %eq3A_118, %jit3A_119, %jit3A_116 : i32
    %rem3A_121 = arith.remsi %add3A_91, %select_n3A_120 : i32
    %ne3A_122 = arith.constant 0 : i32
    %ne3A_123 = arith.cmpi ne, %rem3A_121, %ne3A_122 : i32
    %lt3A_124 = arith.constant 0 : i32
    %lt3A_125 = arith.cmpi slt, %rem3A_121, %lt3A_124 : i32
    %lt3A_126 = arith.constant 0 : i32
    %lt3A_127 = arith.cmpi slt, %select_n3A_120, %lt3A_126 : i32
    %ne3A_128 = arith.xori %lt3A_125, %lt3A_127 : i1
    %and3A_129 = arith.andi %ne3A_128, %ne3A_123 : i1
    %add3A_130 = arith.addi %rem3A_121, %select_n3A_120 : i32
    %select_n3A_131 = arith.select %and3A_129, %add3A_130, %rem3A_121 : i32
    %jit3A_132 = arith.constant 4 : i32
    %div3A_133 = arith.divsi %select_n3A_131, %jit3A_132 : i32
    %sign3A_134 = arith.constant 0 : i32
    %sign3A_135 = arith.cmpi sgt, %select_n3A_131, %sign3A_134 : i32
    %sign3A_136 = arith.extui %sign3A_135 : i1 to i32
    %sign3A_137 = arith.constant 0 : i32
    %sign3A_138 = arith.cmpi slt, %select_n3A_131, %sign3A_137 : i32
    %sign3A_139 = arith.extui %sign3A_138 : i1 to i32
    %sign3A_140 = arith.subi %sign3A_136, %sign3A_139 : i32
    %sign3A_141 = arith.constant 0 : i32
    %sign3A_142 = arith.cmpi sgt, %jit3A_132, %sign3A_141 : i32
    %sign3A_143 = arith.extui %sign3A_142 : i1 to i32
    %sign3A_144 = arith.constant 0 : i32
    %sign3A_145 = arith.cmpi slt, %jit3A_132, %sign3A_144 : i32
    %sign3A_146 = arith.extui %sign3A_145 : i1 to i32
    %sign3A_147 = arith.subi %sign3A_143, %sign3A_146 : i32
    %ne3A_148 = arith.cmpi ne, %sign3A_140, %sign3A_147 : i32
    %rem3A_149 = arith.remsi %select_n3A_131, %jit3A_132 : i32
    %ne3A_150 = arith.constant 0 : i32
    %ne3A_151 = arith.cmpi ne, %rem3A_149, %ne3A_150 : i32
    %and3A_152 = arith.andi %ne3A_148, %ne3A_151 : i1
    %sub3A_153 = arith.constant 1 : i32
    %sub3A_154 = arith.subi %div3A_133, %sub3A_153 : i32
    %select_n3A_155 = arith.select %and3A_152, %sub3A_154, %div3A_133 : i32
    %jit3A_156 = arith.constant 4 : i32
    %eq3A_157 = arith.constant 0 : i32
    %eq3A_158 = arith.cmpi eq, %jit3A_156, %eq3A_157 : i32
    %jit3A_159 = arith.constant 1 : i32
    %select_n3A_160 = arith.select %eq3A_158, %jit3A_159, %jit3A_156 : i32
    %rem3A_161 = arith.remsi %select_n3A_131, %select_n3A_160 : i32
    %ne3A_162 = arith.constant 0 : i32
    %ne3A_163 = arith.cmpi ne, %rem3A_161, %ne3A_162 : i32
    %lt3A_164 = arith.constant 0 : i32
    %lt3A_165 = arith.cmpi slt, %rem3A_161, %lt3A_164 : i32
    %lt3A_166 = arith.constant 0 : i32
    %lt3A_167 = arith.cmpi slt, %select_n3A_160, %lt3A_166 : i32
    %ne3A_168 = arith.xori %lt3A_165, %lt3A_167 : i1
    %and3A_169 = arith.andi %ne3A_168, %ne3A_163 : i1
    %add3A_170 = arith.addi %rem3A_161, %select_n3A_160 : i32
    %select_n3A_171 = arith.select %and3A_169, %add3A_170, %rem3A_161 : i32
    %mul3A_172 = arith.constant 2 : i32
    %mul3A_173 = arith.muli %select_n3A_171, %mul3A_172 : i32
    %add3A_174 = arith.constant 0 : i32
    %add3A_175 = arith.addi %mul3A_173, %add3A_174 : i32
    "tpu.region"() ({
      %run_scoped3A = tpu.sem_alloc : memref<!tpu.dma_semaphore, #tpu.memory_space<semaphore_mem>>
      %dma_start3A = arith.constant 7424 : i32
      %dma_start3A_272 = tpu.memref_slice %arg7[%dma_start3A] : memref<22272xf32, #tpu.memory_space<vmem>> -> memref<3712xf32, #tpu.memory_space<vmem>>
      %dma_start3A_273 = arith.constant 0 : i32
      %dma_start3A_274 = tpu.memref_slice %arg5[%arg0, %select_n3A_115, %select_n3A_155, %add3A_175, %dma_start3A_273] : memref<2x3x4x8x3712xf32, #tpu.memory_space<hbm>> -> memref<1x1x1x1x3712xf32, #tpu.memory_space<hbm>>
      %dma_start3A_275 = tpu.memref_squeeze %dma_start3A_274 : memref<1x1x1x1x3712xf32, #tpu.memory_space<hbm>> -> memref<3712xf32, #tpu.memory_space<hbm>>
      %dma_start3A_276 = arith.constant 0 : i32
      %dma_start3A_277 = tpu.memref_slice %arg5[%arg0, %select_n3A_115, %select_n3A_155, %add3A_175, %dma_start3A_276] : memref<2x3x4x8x3712xf32, #tpu.memory_space<hbm>> -> memref<1x1x1x1x3712xf32, #tpu.memory_space<hbm>>
      %dma_start3A_278 = tpu.memref_squeeze %dma_start3A_277 : memref<1x1x1x1x3712xf32, #tpu.memory_space<hbm>> -> memref<3712xf32, #tpu.memory_space<hbm>>
      %dma_start3A_279 = arith.constant 7424 : i32
      %dma_start3A_280 = tpu.memref_slice %arg7[%dma_start3A_279] : memref<22272xf32, #tpu.memory_space<vmem>> -> memref<3712xf32, #tpu.memory_space<vmem>>
      tpu.enqueue_dma source(%dma_start3A_280 : memref<3712xf32, #tpu.memory_space<vmem>>) target(%dma_start3A_278 : memref<3712xf32, #tpu.memory_space<hbm>>) target_semaphore(%run_scoped3A : memref<!tpu.dma_semaphore, #tpu.memory_space<semaphore_mem>>)
      %dma_wait3A = arith.constant 7424 : i32
      %dma_wait3A_281 = tpu.memref_slice %arg7[%dma_wait3A] : memref<22272xf32, #tpu.memory_space<vmem>> -> memref<3712xf32, #tpu.memory_space<vmem>>
      %dma_wait3A_282 = arith.constant 0 : i32
      %dma_wait3A_283 = tpu.memref_slice %arg5[%arg0, %select_n3A_115, %select_n3A_155, %add3A_175, %dma_wait3A_282] : memref<2x3x4x8x3712xf32, #tpu.memory_space<hbm>> -> memref<1x1x1x1x3712xf32, #tpu.memory_space<hbm>>
      %dma_wait3A_284 = tpu.memref_squeeze %dma_wait3A_283 : memref<1x1x1x1x3712xf32, #tpu.memory_space<hbm>> -> memref<3712xf32, #tpu.memory_space<hbm>>
      %dma_wait3A_285 = arith.constant 0 : i32
      %dma_wait3A_286 = tpu.memref_slice %arg5[%arg0, %select_n3A_115, %select_n3A_155, %add3A_175, %dma_wait3A_285] : memref<2x3x4x8x3712xf32, #tpu.memory_space<hbm>> -> memref<1x1x1x1x3712xf32, #tpu.memory_space<hbm>>
      %dma_wait3A_287 = tpu.memref_squeeze %dma_wait3A_286 : memref<1x1x1x1x3712xf32, #tpu.memory_space<hbm>> -> memref<3712xf32, #tpu.memory_space<hbm>>
      %dma_wait3A_288 = arith.constant 7424 : i32
      %dma_wait3A_289 = tpu.memref_slice %arg7[%dma_wait3A_288] : memref<22272xf32, #tpu.memory_space<vmem>> -> memref<3712xf32, #tpu.memory_space<vmem>>
      tpu.wait_dma2 semaphore(%run_scoped3A : memref<!tpu.dma_semaphore, #tpu.memory_space<semaphore_mem>>) src(%dma_wait3A_289 : memref<3712xf32, #tpu.memory_space<vmem>>) dst(%dma_wait3A_287 : memref<3712xf32, #tpu.memory_space<hbm>>)
      tpu.yield
    }) : () -> ()
    %mul3A_176 = arith.constant 2 : i32
    %mul3A_177 = arith.muli %select_n3A_171, %mul3A_176 : i32
    %add3A_178 = arith.constant 1 : i32
    %add3A_179 = arith.addi %mul3A_177, %add3A_178 : i32
    "tpu.region"() ({
      %run_scoped3A = tpu.sem_alloc : memref<!tpu.dma_semaphore, #tpu.memory_space<semaphore_mem>>
      %dma_start3A = arith.constant 11136 : i32
      %dma_start3A_272 = tpu.memref_slice %arg7[%dma_start3A] : memref<22272xf32, #tpu.memory_space<vmem>> -> memref<3712xf32, #tpu.memory_space<vmem>>
      %dma_start3A_273 = arith.constant 0 : i32
      %dma_start3A_274 = tpu.memref_slice %arg5[%arg0, %select_n3A_115, %select_n3A_155, %add3A_179, %dma_start3A_273] : memref<2x3x4x8x3712xf32, #tpu.memory_space<hbm>> -> memref<1x1x1x1x3712xf32, #tpu.memory_space<hbm>>
      %dma_start3A_275 = tpu.memref_squeeze %dma_start3A_274 : memref<1x1x1x1x3712xf32, #tpu.memory_space<hbm>> -> memref<3712xf32, #tpu.memory_space<hbm>>
      %dma_start3A_276 = arith.constant 0 : i32
      %dma_start3A_277 = tpu.memref_slice %arg5[%arg0, %select_n3A_115, %select_n3A_155, %add3A_179, %dma_start3A_276] : memref<2x3x4x8x3712xf32, #tpu.memory_space<hbm>> -> memref<1x1x1x1x3712xf32, #tpu.memory_space<hbm>>
      %dma_start3A_278 = tpu.memref_squeeze %dma_start3A_277 : memref<1x1x1x1x3712xf32, #tpu.memory_space<hbm>> -> memref<3712xf32, #tpu.memory_space<hbm>>
      %dma_start3A_279 = arith.constant 11136 : i32
      %dma_start3A_280 = tpu.memref_slice %arg7[%dma_start3A_279] : memref<22272xf32, #tpu.memory_space<vmem>> -> memref<3712xf32, #tpu.memory_space<vmem>>
      tpu.enqueue_dma source(%dma_start3A_280 : memref<3712xf32, #tpu.memory_space<vmem>>) target(%dma_start3A_278 : memref<3712xf32, #tpu.memory_space<hbm>>) target_semaphore(%run_scoped3A : memref<!tpu.dma_semaphore, #tpu.memory_space<semaphore_mem>>)
      %dma_wait3A = arith.constant 11136 : i32
      %dma_wait3A_281 = tpu.memref_slice %arg7[%dma_wait3A] : memref<22272xf32, #tpu.memory_space<vmem>> -> memref<3712xf32, #tpu.memory_space<vmem>>
      %dma_wait3A_282 = arith.constant 0 : i32
      %dma_wait3A_283 = tpu.memref_slice %arg5[%arg0, %select_n3A_115, %select_n3A_155, %add3A_179, %dma_wait3A_282] : memref<2x3x4x8x3712xf32, #tpu.memory_space<hbm>> -> memref<1x1x1x1x3712xf32, #tpu.memory_space<hbm>>
      %dma_wait3A_284 = tpu.memref_squeeze %dma_wait3A_283 : memref<1x1x1x1x3712xf32, #tpu.memory_space<hbm>> -> memref<3712xf32, #tpu.memory_space<hbm>>
      %dma_wait3A_285 = arith.constant 0 : i32
      %dma_wait3A_286 = tpu.memref_slice %arg5[%arg0, %select_n3A_115, %select_n3A_155, %add3A_179, %dma_wait3A_285] : memref<2x3x4x8x3712xf32, #tpu.memory_space<hbm>> -> memref<1x1x1x1x3712xf32, #tpu.memory_space<hbm>>
      %dma_wait3A_287 = tpu.memref_squeeze %dma_wait3A_286 : memref<1x1x1x1x3712xf32, #tpu.memory_space<hbm>> -> memref<3712xf32, #tpu.memory_space<hbm>>
      %dma_wait3A_288 = arith.constant 11136 : i32
      %dma_wait3A_289 = tpu.memref_slice %arg7[%dma_wait3A_288] : memref<22272xf32, #tpu.memory_space<vmem>> -> memref<3712xf32, #tpu.memory_space<vmem>>
      tpu.wait_dma2 semaphore(%run_scoped3A : memref<!tpu.dma_semaphore, #tpu.memory_space<semaphore_mem>>) src(%dma_wait3A_289 : memref<3712xf32, #tpu.memory_space<vmem>>) dst(%dma_wait3A_287 : memref<3712xf32, #tpu.memory_space<hbm>>)
      tpu.yield
    }) : () -> ()
    %mul3A_180 = arith.constant 3 : i32
    %mul3A_181 = arith.muli %arg1, %mul3A_180 : i32
    %add3A_182 = arith.constant 2 : i32
    %add3A_183 = arith.addi %mul3A_181, %add3A_182 : i32
    %jit3A_184 = arith.constant 16 : i32
    %div3A_185 = arith.divsi %add3A_183, %jit3A_184 : i32
    %sign3A_186 = arith.constant 0 : i32
    %sign3A_187 = arith.cmpi sgt, %add3A_183, %sign3A_186 : i32
    %sign3A_188 = arith.extui %sign3A_187 : i1 to i32
    %sign3A_189 = arith.constant 0 : i32
    %sign3A_190 = arith.cmpi slt, %add3A_183, %sign3A_189 : i32
    %sign3A_191 = arith.extui %sign3A_190 : i1 to i32
    %sign3A_192 = arith.subi %sign3A_188, %sign3A_191 : i32
    %sign3A_193 = arith.constant 0 : i32
    %sign3A_194 = arith.cmpi sgt, %jit3A_184, %sign3A_193 : i32
    %sign3A_195 = arith.extui %sign3A_194 : i1 to i32
    %sign3A_196 = arith.constant 0 : i32
    %sign3A_197 = arith.cmpi slt, %jit3A_184, %sign3A_196 : i32
    %sign3A_198 = arith.extui %sign3A_197 : i1 to i32
    %sign3A_199 = arith.subi %sign3A_195, %sign3A_198 : i32
    %ne3A_200 = arith.cmpi ne, %sign3A_192, %sign3A_199 : i32
    %rem3A_201 = arith.remsi %add3A_183, %jit3A_184 : i32
    %ne3A_202 = arith.constant 0 : i32
    %ne3A_203 = arith.cmpi ne, %rem3A_201, %ne3A_202 : i32
    %and3A_204 = arith.andi %ne3A_200, %ne3A_203 : i1
    %sub3A_205 = arith.constant 1 : i32
    %sub3A_206 = arith.subi %div3A_185, %sub3A_205 : i32
    %select_n3A_207 = arith.select %and3A_204, %sub3A_206, %div3A_185 : i32
    %jit3A_208 = arith.constant 16 : i32
    %eq3A_209 = arith.constant 0 : i32
    %eq3A_210 = arith.cmpi eq, %jit3A_208, %eq3A_209 : i32
    %jit3A_211 = arith.constant 1 : i32
    %select_n3A_212 = arith.select %eq3A_210, %jit3A_211, %jit3A_208 : i32
    %rem3A_213 = arith.remsi %add3A_183, %select_n3A_212 : i32
    %ne3A_214 = arith.constant 0 : i32
    %ne3A_215 = arith.cmpi ne, %rem3A_213, %ne3A_214 : i32
    %lt3A_216 = arith.constant 0 : i32
    %lt3A_217 = arith.cmpi slt, %rem3A_213, %lt3A_216 : i32
    %lt3A_218 = arith.constant 0 : i32
    %lt3A_219 = arith.cmpi slt, %select_n3A_212, %lt3A_218 : i32
    %ne3A_220 = arith.xori %lt3A_217, %lt3A_219 : i1
    %and3A_221 = arith.andi %ne3A_220, %ne3A_215 : i1
    %add3A_222 = arith.addi %rem3A_213, %select_n3A_212 : i32
    %select_n3A_223 = arith.select %and3A_221, %add3A_222, %rem3A_213 : i32
    %jit3A_224 = arith.constant 4 : i32
    %div3A_225 = arith.divsi %select_n3A_223, %jit3A_224 : i32
    %sign3A_226 = arith.constant 0 : i32
    %sign3A_227 = arith.cmpi sgt, %select_n3A_223, %sign3A_226 : i32
    %sign3A_228 = arith.extui %sign3A_227 : i1 to i32
    %sign3A_229 = arith.constant 0 : i32
    %sign3A_230 = arith.cmpi slt, %select_n3A_223, %sign3A_229 : i32
    %sign3A_231 = arith.extui %sign3A_230 : i1 to i32
    %sign3A_232 = arith.subi %sign3A_228, %sign3A_231 : i32
    %sign3A_233 = arith.constant 0 : i32
    %sign3A_234 = arith.cmpi sgt, %jit3A_224, %sign3A_233 : i32
    %sign3A_235 = arith.extui %sign3A_234 : i1 to i32
    %sign3A_236 = arith.constant 0 : i32
    %sign3A_237 = arith.cmpi slt, %jit3A_224, %sign3A_236 : i32
    %sign3A_238 = arith.extui %sign3A_237 : i1 to i32
    %sign3A_239 = arith.subi %sign3A_235, %sign3A_238 : i32
    %ne3A_240 = arith.cmpi ne, %sign3A_232, %sign3A_239 : i32
    %rem3A_241 = arith.remsi %select_n3A_223, %jit3A_224 : i32
    %ne3A_242 = arith.constant 0 : i32
    %ne3A_243 = arith.cmpi ne, %rem3A_241, %ne3A_242 : i32
    %and3A_244 = arith.andi %ne3A_240, %ne3A_243 : i1
    %sub3A_245 = arith.constant 1 : i32
    %sub3A_246 = arith.subi %div3A_225, %sub3A_245 : i32
    %select_n3A_247 = arith.select %and3A_244, %sub3A_246, %div3A_225 : i32
    %jit3A_248 = arith.constant 4 : i32
    %eq3A_249 = arith.constant 0 : i32
    %eq3A_250 = arith.cmpi eq, %jit3A_248, %eq3A_249 : i32
    %jit3A_251 = arith.constant 1 : i32
    %select_n3A_252 = arith.select %eq3A_250, %jit3A_251, %jit3A_248 : i32
    %rem3A_253 = arith.remsi %select_n3A_223, %select_n3A_252 : i32
    %ne3A_254 = arith.constant 0 : i32
    %ne3A_255 = arith.cmpi ne, %rem3A_253, %ne3A_254 : i32
    %lt3A_256 = arith.constant 0 : i32
    %lt3A_257 = arith.cmpi slt, %rem3A_253, %lt3A_256 : i32
    %lt3A_258 = arith.constant 0 : i32
    %lt3A_259 = arith.cmpi slt, %select_n3A_252, %lt3A_258 : i32
    %ne3A_260 = arith.xori %lt3A_257, %lt3A_259 : i1
    %and3A_261 = arith.andi %ne3A_260, %ne3A_255 : i1
    %add3A_262 = arith.addi %rem3A_253, %select_n3A_252 : i32
    %select_n3A_263 = arith.select %and3A_261, %add3A_262, %rem3A_253 : i32
    %mul3A_264 = arith.constant 2 : i32
    %mul3A_265 = arith.muli %select_n3A_263, %mul3A_264 : i32
    %add3A_266 = arith.constant 0 : i32
    %add3A_267 = arith.addi %mul3A_265, %add3A_266 : i32
    "tpu.region"() ({
      %run_scoped3A = tpu.sem_alloc : memref<!tpu.dma_semaphore, #tpu.memory_space<semaphore_mem>>
      %dma_start3A = arith.constant 14848 : i32
      %dma_start3A_272 = tpu.memref_slice %arg7[%dma_start3A] : memref<22272xf32, #tpu.memory_space<vmem>> -> memref<3712xf32, #tpu.memory_space<vmem>>
      %dma_start3A_273 = arith.constant 0 : i32
      %dma_start3A_274 = tpu.memref_slice %arg5[%arg0, %select_n3A_207, %select_n3A_247, %add3A_267, %dma_start3A_273] : memref<2x3x4x8x3712xf32, #tpu.memory_space<hbm>> -> memref<1x1x1x1x3712xf32, #tpu.memory_space<hbm>>
      %dma_start3A_275 = tpu.memref_squeeze %dma_start3A_274 : memref<1x1x1x1x3712xf32, #tpu.memory_space<hbm>> -> memref<3712xf32, #tpu.memory_space<hbm>>
      %dma_start3A_276 = arith.constant 0 : i32
      %dma_start3A_277 = tpu.memref_slice %arg5[%arg0, %select_n3A_207, %select_n3A_247, %add3A_267, %dma_start3A_276] : memref<2x3x4x8x3712xf32, #tpu.memory_space<hbm>> -> memref<1x1x1x1x3712xf32, #tpu.memory_space<hbm>>
      %dma_start3A_278 = tpu.memref_squeeze %dma_start3A_277 : memref<1x1x1x1x3712xf32, #tpu.memory_space<hbm>> -> memref<3712xf32, #tpu.memory_space<hbm>>
      %dma_start3A_279 = arith.constant 14848 : i32
      %dma_start3A_280 = tpu.memref_slice %arg7[%dma_start3A_279] : memref<22272xf32, #tpu.memory_space<vmem>> -> memref<3712xf32, #tpu.memory_space<vmem>>
      tpu.enqueue_dma source(%dma_start3A_280 : memref<3712xf32, #tpu.memory_space<vmem>>) target(%dma_start3A_278 : memref<3712xf32, #tpu.memory_space<hbm>>) target_semaphore(%run_scoped3A : memref<!tpu.dma_semaphore, #tpu.memory_space<semaphore_mem>>)
      %dma_wait3A = arith.constant 14848 : i32
      %dma_wait3A_281 = tpu.memref_slice %arg7[%dma_wait3A] : memref<22272xf32, #tpu.memory_space<vmem>> -> memref<3712xf32, #tpu.memory_space<vmem>>
      %dma_wait3A_282 = arith.constant 0 : i32
      %dma_wait3A_283 = tpu.memref_slice %arg5[%arg0, %select_n3A_207, %select_n3A_247, %add3A_267, %dma_wait3A_282] : memref<2x3x4x8x3712xf32, #tpu.memory_space<hbm>> -> memref<1x1x1x1x3712xf32, #tpu.memory_space<hbm>>
      %dma_wait3A_284 = tpu.memref_squeeze %dma_wait3A_283 : memref<1x1x1x1x3712xf32, #tpu.memory_space<hbm>> -> memref<3712xf32, #tpu.memory_space<hbm>>
      %dma_wait3A_285 = arith.constant 0 : i32
      %dma_wait3A_286 = tpu.memref_slice %arg5[%arg0, %select_n3A_207, %select_n3A_247, %add3A_267, %dma_wait3A_285] : memref<2x3x4x8x3712xf32, #tpu.memory_space<hbm>> -> memref<1x1x1x1x3712xf32, #tpu.memory_space<hbm>>
      %dma_wait3A_287 = tpu.memref_squeeze %dma_wait3A_286 : memref<1x1x1x1x3712xf32, #tpu.memory_space<hbm>> -> memref<3712xf32, #tpu.memory_space<hbm>>
      %dma_wait3A_288 = arith.constant 14848 : i32
      %dma_wait3A_289 = tpu.memref_slice %arg7[%dma_wait3A_288] : memref<22272xf32, #tpu.memory_space<vmem>> -> memref<3712xf32, #tpu.memory_space<vmem>>
      tpu.wait_dma2 semaphore(%run_scoped3A : memref<!tpu.dma_semaphore, #tpu.memory_space<semaphore_mem>>) src(%dma_wait3A_289 : memref<3712xf32, #tpu.memory_space<vmem>>) dst(%dma_wait3A_287 : memref<3712xf32, #tpu.memory_space<hbm>>)
      tpu.yield
    }) : () -> ()
    %mul3A_268 = arith.constant 2 : i32
    %mul3A_269 = arith.muli %select_n3A_263, %mul3A_268 : i32
    %add3A_270 = arith.constant 1 : i32
    %add3A_271 = arith.addi %mul3A_269, %add3A_270 : i32
    "tpu.region"() ({
      %run_scoped3A = tpu.sem_alloc : memref<!tpu.dma_semaphore, #tpu.memory_space<semaphore_mem>>
      %dma_start3A = arith.constant 18560 : i32
      %dma_start3A_272 = tpu.memref_slice %arg7[%dma_start3A] : memref<22272xf32, #tpu.memory_space<vmem>> -> memref<3712xf32, #tpu.memory_space<vmem>>
      %dma_start3A_273 = arith.constant 0 : i32
      %dma_start3A_274 = tpu.memref_slice %arg5[%arg0, %select_n3A_207, %select_n3A_247, %add3A_271, %dma_start3A_273] : memref<2x3x4x8x3712xf32, #tpu.memory_space<hbm>> -> memref<1x1x1x1x3712xf32, #tpu.memory_space<hbm>>
      %dma_start3A_275 = tpu.memref_squeeze %dma_start3A_274 : memref<1x1x1x1x3712xf32, #tpu.memory_space<hbm>> -> memref<3712xf32, #tpu.memory_space<hbm>>
      %dma_start3A_276 = arith.constant 0 : i32
      %dma_start3A_277 = tpu.memref_slice %arg5[%arg0, %select_n3A_207, %select_n3A_247, %add3A_271, %dma_start3A_276] : memref<2x3x4x8x3712xf32, #tpu.memory_space<hbm>> -> memref<1x1x1x1x3712xf32, #tpu.memory_space<hbm>>
      %dma_start3A_278 = tpu.memref_squeeze %dma_start3A_277 : memref<1x1x1x1x3712xf32, #tpu.memory_space<hbm>> -> memref<3712xf32, #tpu.memory_space<hbm>>
      %dma_start3A_279 = arith.constant 18560 : i32
      %dma_start3A_280 = tpu.memref_slice %arg7[%dma_start3A_279] : memref<22272xf32, #tpu.memory_space<vmem>> -> memref<3712xf32, #tpu.memory_space<vmem>>
      tpu.enqueue_dma source(%dma_start3A_280 : memref<3712xf32, #tpu.memory_space<vmem>>) target(%dma_start3A_278 : memref<3712xf32, #tpu.memory_space<hbm>>) target_semaphore(%run_scoped3A : memref<!tpu.dma_semaphore, #tpu.memory_space<semaphore_mem>>)
      %dma_wait3A = arith.constant 18560 : i32
      %dma_wait3A_281 = tpu.memref_slice %arg7[%dma_wait3A] : memref<22272xf32, #tpu.memory_space<vmem>> -> memref<3712xf32, #tpu.memory_space<vmem>>
      %dma_wait3A_282 = arith.constant 0 : i32
      %dma_wait3A_283 = tpu.memref_slice %arg5[%arg0, %select_n3A_207, %select_n3A_247, %add3A_271, %dma_wait3A_282] : memref<2x3x4x8x3712xf32, #tpu.memory_space<hbm>> -> memref<1x1x1x1x3712xf32, #tpu.memory_space<hbm>>
      %dma_wait3A_284 = tpu.memref_squeeze %dma_wait3A_283 : memref<1x1x1x1x3712xf32, #tpu.memory_space<hbm>> -> memref<3712xf32, #tpu.memory_space<hbm>>
      %dma_wait3A_285 = arith.constant 0 : i32
      %dma_wait3A_286 = tpu.memref_slice %arg5[%arg0, %select_n3A_207, %select_n3A_247, %add3A_271, %dma_wait3A_285] : memref<2x3x4x8x3712xf32, #tpu.memory_space<hbm>> -> memref<1x1x1x1x3712xf32, #tpu.memory_space<hbm>>
      %dma_wait3A_287 = tpu.memref_squeeze %dma_wait3A_286 : memref<1x1x1x1x3712xf32, #tpu.memory_space<hbm>> -> memref<3712xf32, #tpu.memory_space<hbm>>
      %dma_wait3A_288 = arith.constant 18560 : i32
      %dma_wait3A_289 = tpu.memref_slice %arg7[%dma_wait3A_288] : memref<22272xf32, #tpu.memory_space<vmem>> -> memref<3712xf32, #tpu.memory_space<vmem>>
      tpu.wait_dma2 semaphore(%run_scoped3A : memref<!tpu.dma_semaphore, #tpu.memory_space<semaphore_mem>>) src(%dma_wait3A_289 : memref<3712xf32, #tpu.memory_space<vmem>>) dst(%dma_wait3A_287 : memref<3712xf32, #tpu.memory_space<hbm>>)
      tpu.yield
    }) : () -> ()
    return
  }
}

module attributes {stable_mosaic.version = 14 : i64} {
  func.func @_tc_loss_body(%arg0: i32, %arg1: memref<2x3x1x8x3712xf32, #tpu.memory_space<vmem>>, %arg2: memref<3x1x8x3712xf32, #tpu.memory_space<vmem>>, %arg3: memref<4x9xf32, #tpu.memory_space<smem>>, %arg4: memref<1x1xf32, #tpu.memory_space<smem>>, %arg5: memref<2xf32, #tpu.memory_space<smem>>) attributes {dimension_semantics = [#tpu.dimension_semantics<arbitrary>], iteration_bounds = array<i64: 4>, scalar_prefetch = 0 : i64, scratch_operands = 1 : i64, tpu.core_type = #tpu.core_type<tc>, window_params = [{transform_indices = @transform_0, window_bounds = array<i64: 2, 3, 1, 8, 3712>}, {transform_indices = @transform_1, window_bounds = array<i64: 3, 1, 8, 3712>}, {transform_indices = @transform_2, window_bounds = array<i64: 4, 9>}, {transform_indices = @transform_3, window_bounds = array<i64: 1, 1>}]} {
    %eq3A = arith.constant 0 : i32
    %eq3A_0 = arith.cmpi eq, %arg0, %eq3A : i32
    %convert_element_type3A = arith.extui %eq3A_0 : i1 to i32
    %cond3A = arith.constant 0 : i32
    %cond3A_1 = arith.cmpi ne, %convert_element_type3A, %cond3A : i32
    scf.if %cond3A_1 {
      %swap3A_391 = arith.constant 0.000000e+00 : f32
      %swap3A_392 = arith.constant 0 : index
      %swap3A_393 = memref.load %arg5[%swap3A_392] : memref<2xf32, #tpu.memory_space<smem>>
      memref.store %swap3A_391, %arg5[%swap3A_392] : memref<2xf32, #tpu.memory_space<smem>>
      %swap3A_394 = arith.constant 0.000000e+00 : f32
      %swap3A_395 = arith.constant 1 : index
      %swap3A_396 = memref.load %arg5[%swap3A_395] : memref<2xf32, #tpu.memory_space<smem>>
      memref.store %swap3A_394, %arg5[%swap3A_395] : memref<2xf32, #tpu.memory_space<smem>>
    } else {
    }
    %get3A = arith.index_cast %arg0 : i32 to index
    %get3A_2 = arith.constant 0 : index
    %get3A_3 = memref.load %arg3[%get3A, %get3A_2] : memref<4x9xf32, #tpu.memory_space<smem>>
    %div3A = arith.constant 1.000000e+00 : f32
    %div3A_4 = arith.divf %div3A, %get3A_3 : f32
    %get3A_5 = arith.index_cast %arg0 : i32 to index
    %get3A_6 = arith.constant 2 : index
    %get3A_7 = memref.load %arg3[%get3A_5, %get3A_6] : memref<4x9xf32, #tpu.memory_space<smem>>
    %get3A_8 = arith.index_cast %arg0 : i32 to index
    %get3A_9 = arith.constant 5 : index
    %get3A_10 = memref.load %arg3[%get3A_8, %get3A_9] : memref<4x9xf32, #tpu.memory_space<smem>>
    %get3A_11 = arith.constant 0 : index
    %get3A_12 = arith.constant 0 : index
    %get3A_13 = arith.constant 0 : index
    %get3A_14 = arith.constant 0 : index
    %get3A_15 = arith.constant 0 : index
    %get3A_16 = vector.load %arg1[%get3A_11, %get3A_12, %get3A_13, %get3A_14, %get3A_15] : memref<2x3x1x8x3712xf32, #tpu.memory_space<vmem>>, vector<2x3x1x8x3712xf32>
    %get3A_17 = arith.constant 0 : index
    %get3A_18 = arith.constant 0 : index
    %get3A_19 = arith.constant 0 : index
    %get3A_20 = arith.constant 0 : index
    %get3A_21 = vector.load %arg2[%get3A_17, %get3A_18, %get3A_19, %get3A_20] : memref<3x1x8x3712xf32, #tpu.memory_space<vmem>>, vector<3x1x8x3712xf32>
    %mul3A = arith.constant 0.001953125 : f32
    %mul3A_22 = vector.broadcast %mul3A : f32 to vector<3x1x8x3712xf32>
    %mul3A_23 = arith.mulf %get3A_21, %mul3A_22 : vector<3x1x8x3712xf32>
    %floor3A = math.floor %mul3A_23 : vector<3x1x8x3712xf32>
    %mul3A_24 = arith.constant 5.120000e+02 : f32
    %mul3A_25 = vector.broadcast %mul3A_24 : f32 to vector<3x1x8x3712xf32>
    %mul3A_26 = arith.mulf %floor3A, %mul3A_25 : vector<3x1x8x3712xf32>
    %sub3A = arith.subf %get3A_21, %mul3A_26 : vector<3x1x8x3712xf32>
    %slice3A = vector.extract_strided_slice %sub3A {offsets = [0, 0, 0, 0], sizes = [1, 1, 8, 3712], strides = [1, 1, 1, 1]} : vector<3x1x8x3712xf32> to vector<1x1x8x3712xf32>
    %squeeze3A = vector.shape_cast %slice3A : vector<1x1x8x3712xf32> to vector<8x3712xf32>
    %sub3A_27 = vector.broadcast %get3A_7 : f32 to vector<8x3712xf32>
    %sub3A_28 = arith.subf %squeeze3A, %sub3A_27 : vector<8x3712xf32>
    %mul3A_29 = vector.broadcast %div3A_4 : f32 to vector<8x3712xf32>
    %mul3A_30 = arith.mulf %sub3A_28, %mul3A_29 : vector<8x3712xf32>
    %slice3A_31 = vector.extract_strided_slice %floor3A {offsets = [0, 0, 0, 0], sizes = [1, 1, 8, 3712], strides = [1, 1, 1, 1]} : vector<3x1x8x3712xf32> to vector<1x1x8x3712xf32>
    %squeeze3A_32 = vector.shape_cast %slice3A_31 : vector<1x1x8x3712xf32> to vector<8x3712xf32>
    %sub3A_33 = vector.broadcast %get3A_10 : f32 to vector<8x3712xf32>
    %sub3A_34 = arith.subf %squeeze3A_32, %sub3A_33 : vector<8x3712xf32>
    %mul3A_35 = vector.broadcast %div3A_4 : f32 to vector<8x3712xf32>
    %mul3A_36 = arith.mulf %sub3A_34, %mul3A_35 : vector<8x3712xf32>
    %slice3A_37 = vector.extract_strided_slice %get3A_16 {offsets = [0, 0, 0, 0, 0], sizes = [1, 1, 1, 8, 3712], strides = [1, 1, 1, 1, 1]} : vector<2x3x1x8x3712xf32> to vector<1x1x1x8x3712xf32>
    %squeeze3A_38 = vector.shape_cast %slice3A_37 : vector<1x1x1x8x3712xf32> to vector<8x3712xf32>
    %slice3A_39 = vector.extract_strided_slice %get3A_16 {offsets = [1, 0, 0, 0, 0], sizes = [1, 1, 1, 8, 3712], strides = [1, 1, 1, 1, 1]} : vector<2x3x1x8x3712xf32> to vector<1x1x1x8x3712xf32>
    %squeeze3A_40 = vector.shape_cast %slice3A_39 : vector<1x1x1x8x3712xf32> to vector<8x3712xf32>
    %mul3A_41 = arith.mulf %mul3A_30, %squeeze3A_38 : vector<8x3712xf32>
    %mul3A_42 = arith.mulf %mul3A_36, %squeeze3A_38 : vector<8x3712xf32>
    %mul3A_43 = arith.mulf %mul3A_30, %squeeze3A_40 : vector<8x3712xf32>
    %mul3A_44 = arith.mulf %mul3A_36, %squeeze3A_40 : vector<8x3712xf32>
    %slice3A_45 = vector.extract_strided_slice %sub3A {offsets = [1, 0, 0, 0], sizes = [1, 1, 8, 3712], strides = [1, 1, 1, 1]} : vector<3x1x8x3712xf32> to vector<1x1x8x3712xf32>
    %squeeze3A_46 = vector.shape_cast %slice3A_45 : vector<1x1x8x3712xf32> to vector<8x3712xf32>
    %sub3A_47 = vector.broadcast %get3A_7 : f32 to vector<8x3712xf32>
    %sub3A_48 = arith.subf %squeeze3A_46, %sub3A_47 : vector<8x3712xf32>
    %mul3A_49 = vector.broadcast %div3A_4 : f32 to vector<8x3712xf32>
    %mul3A_50 = arith.mulf %sub3A_48, %mul3A_49 : vector<8x3712xf32>
    %slice3A_51 = vector.extract_strided_slice %floor3A {offsets = [1, 0, 0, 0], sizes = [1, 1, 8, 3712], strides = [1, 1, 1, 1]} : vector<3x1x8x3712xf32> to vector<1x1x8x3712xf32>
    %squeeze3A_52 = vector.shape_cast %slice3A_51 : vector<1x1x8x3712xf32> to vector<8x3712xf32>
    %sub3A_53 = vector.broadcast %get3A_10 : f32 to vector<8x3712xf32>
    %sub3A_54 = arith.subf %squeeze3A_52, %sub3A_53 : vector<8x3712xf32>
    %mul3A_55 = vector.broadcast %div3A_4 : f32 to vector<8x3712xf32>
    %mul3A_56 = arith.mulf %sub3A_54, %mul3A_55 : vector<8x3712xf32>
    %slice3A_57 = vector.extract_strided_slice %get3A_16 {offsets = [0, 1, 0, 0, 0], sizes = [1, 1, 1, 8, 3712], strides = [1, 1, 1, 1, 1]} : vector<2x3x1x8x3712xf32> to vector<1x1x1x8x3712xf32>
    %squeeze3A_58 = vector.shape_cast %slice3A_57 : vector<1x1x1x8x3712xf32> to vector<8x3712xf32>
    %slice3A_59 = vector.extract_strided_slice %get3A_16 {offsets = [1, 1, 0, 0, 0], sizes = [1, 1, 1, 8, 3712], strides = [1, 1, 1, 1, 1]} : vector<2x3x1x8x3712xf32> to vector<1x1x1x8x3712xf32>
    %squeeze3A_60 = vector.shape_cast %slice3A_59 : vector<1x1x1x8x3712xf32> to vector<8x3712xf32>
    %mul3A_61 = arith.mulf %mul3A_50, %squeeze3A_58 : vector<8x3712xf32>
    %mul3A_62 = arith.mulf %mul3A_56, %squeeze3A_58 : vector<8x3712xf32>
    %mul3A_63 = arith.mulf %mul3A_50, %squeeze3A_60 : vector<8x3712xf32>
    %mul3A_64 = arith.mulf %mul3A_56, %squeeze3A_60 : vector<8x3712xf32>
    %slice3A_65 = vector.extract_strided_slice %sub3A {offsets = [2, 0, 0, 0], sizes = [1, 1, 8, 3712], strides = [1, 1, 1, 1]} : vector<3x1x8x3712xf32> to vector<1x1x8x3712xf32>
    %squeeze3A_66 = vector.shape_cast %slice3A_65 : vector<1x1x8x3712xf32> to vector<8x3712xf32>
    %sub3A_67 = vector.broadcast %get3A_7 : f32 to vector<8x3712xf32>
    %sub3A_68 = arith.subf %squeeze3A_66, %sub3A_67 : vector<8x3712xf32>
    %mul3A_69 = vector.broadcast %div3A_4 : f32 to vector<8x3712xf32>
    %mul3A_70 = arith.mulf %sub3A_68, %mul3A_69 : vector<8x3712xf32>
    %slice3A_71 = vector.extract_strided_slice %floor3A {offsets = [2, 0, 0, 0], sizes = [1, 1, 8, 3712], strides = [1, 1, 1, 1]} : vector<3x1x8x3712xf32> to vector<1x1x8x3712xf32>
    %squeeze3A_72 = vector.shape_cast %slice3A_71 : vector<1x1x8x3712xf32> to vector<8x3712xf32>
    %sub3A_73 = vector.broadcast %get3A_10 : f32 to vector<8x3712xf32>
    %sub3A_74 = arith.subf %squeeze3A_72, %sub3A_73 : vector<8x3712xf32>
    %mul3A_75 = vector.broadcast %div3A_4 : f32 to vector<8x3712xf32>
    %mul3A_76 = arith.mulf %sub3A_74, %mul3A_75 : vector<8x3712xf32>
    %slice3A_77 = vector.extract_strided_slice %get3A_16 {offsets = [0, 2, 0, 0, 0], sizes = [1, 1, 1, 8, 3712], strides = [1, 1, 1, 1, 1]} : vector<2x3x1x8x3712xf32> to vector<1x1x1x8x3712xf32>
    %squeeze3A_78 = vector.shape_cast %slice3A_77 : vector<1x1x1x8x3712xf32> to vector<8x3712xf32>
    %slice3A_79 = vector.extract_strided_slice %get3A_16 {offsets = [1, 2, 0, 0, 0], sizes = [1, 1, 1, 8, 3712], strides = [1, 1, 1, 1, 1]} : vector<2x3x1x8x3712xf32> to vector<1x1x1x8x3712xf32>
    %squeeze3A_80 = vector.shape_cast %slice3A_79 : vector<1x1x1x8x3712xf32> to vector<8x3712xf32>
    %mul3A_81 = arith.mulf %mul3A_70, %squeeze3A_78 : vector<8x3712xf32>
    %mul3A_82 = arith.mulf %mul3A_76, %squeeze3A_78 : vector<8x3712xf32>
    %mul3A_83 = arith.mulf %mul3A_70, %squeeze3A_80 : vector<8x3712xf32>
    %mul3A_84 = arith.mulf %mul3A_76, %squeeze3A_80 : vector<8x3712xf32>
    %sub3A_85 = arith.subf %mul3A_61, %mul3A_41 : vector<8x3712xf32>
    %sub3A_86 = arith.subf %mul3A_62, %mul3A_42 : vector<8x3712xf32>
    %sub3A_87 = arith.subf %squeeze3A_58, %squeeze3A_38 : vector<8x3712xf32>
    %sub3A_88 = arith.subf %mul3A_81, %mul3A_41 : vector<8x3712xf32>
    %sub3A_89 = arith.subf %mul3A_82, %mul3A_42 : vector<8x3712xf32>
    %sub3A_90 = arith.subf %squeeze3A_78, %squeeze3A_38 : vector<8x3712xf32>
    %sub3A_91 = arith.subf %mul3A_81, %mul3A_61 : vector<8x3712xf32>
    %sub3A_92 = arith.subf %mul3A_82, %mul3A_62 : vector<8x3712xf32>
    %sub3A_93 = arith.subf %squeeze3A_78, %squeeze3A_58 : vector<8x3712xf32>
    %mul3A_94 = arith.mulf %sub3A_85, %sub3A_85 : vector<8x3712xf32>
    %mul3A_95 = arith.mulf %sub3A_86, %sub3A_86 : vector<8x3712xf32>
    %add3A = arith.addf %mul3A_94, %mul3A_95 : vector<8x3712xf32>
    %mul3A_96 = arith.mulf %sub3A_87, %sub3A_87 : vector<8x3712xf32>
    %add3A_97 = arith.addf %add3A, %mul3A_96 : vector<8x3712xf32>
    %mul3A_98 = arith.mulf %sub3A_85, %sub3A_88 : vector<8x3712xf32>
    %mul3A_99 = arith.mulf %sub3A_86, %sub3A_89 : vector<8x3712xf32>
    %add3A_100 = arith.addf %mul3A_98, %mul3A_99 : vector<8x3712xf32>
    %mul3A_101 = arith.mulf %sub3A_87, %sub3A_90 : vector<8x3712xf32>
    %add3A_102 = arith.addf %add3A_100, %mul3A_101 : vector<8x3712xf32>
    %mul3A_103 = arith.mulf %sub3A_85, %sub3A_91 : vector<8x3712xf32>
    %mul3A_104 = arith.mulf %sub3A_86, %sub3A_92 : vector<8x3712xf32>
    %add3A_105 = arith.addf %mul3A_103, %mul3A_104 : vector<8x3712xf32>
    %mul3A_106 = arith.mulf %sub3A_87, %sub3A_93 : vector<8x3712xf32>
    %add3A_107 = arith.addf %add3A_105, %mul3A_106 : vector<8x3712xf32>
    %mul3A_108 = arith.mulf %sub3A_88, %sub3A_88 : vector<8x3712xf32>
    %mul3A_109 = arith.mulf %sub3A_89, %sub3A_89 : vector<8x3712xf32>
    %add3A_110 = arith.addf %mul3A_108, %mul3A_109 : vector<8x3712xf32>
    %mul3A_111 = arith.mulf %sub3A_90, %sub3A_90 : vector<8x3712xf32>
    %add3A_112 = arith.addf %add3A_110, %mul3A_111 : vector<8x3712xf32>
    %mul3A_113 = arith.mulf %sub3A_88, %sub3A_91 : vector<8x3712xf32>
    %mul3A_114 = arith.mulf %sub3A_89, %sub3A_92 : vector<8x3712xf32>
    %add3A_115 = arith.addf %mul3A_113, %mul3A_114 : vector<8x3712xf32>
    %mul3A_116 = arith.mulf %sub3A_90, %sub3A_93 : vector<8x3712xf32>
    %add3A_117 = arith.addf %add3A_115, %mul3A_116 : vector<8x3712xf32>
    %mul3A_118 = arith.mulf %sub3A_91, %sub3A_91 : vector<8x3712xf32>
    %mul3A_119 = arith.mulf %sub3A_92, %sub3A_92 : vector<8x3712xf32>
    %add3A_120 = arith.addf %mul3A_118, %mul3A_119 : vector<8x3712xf32>
    %mul3A_121 = arith.mulf %sub3A_93, %sub3A_93 : vector<8x3712xf32>
    %add3A_122 = arith.addf %add3A_120, %mul3A_121 : vector<8x3712xf32>
    %sqrt3A = math.sqrt %add3A_97 : vector<8x3712xf32>
    %sqrt3A_123 = math.sqrt %add3A_112 : vector<8x3712xf32>
    %sqrt3A_124 = math.sqrt %add3A_122 : vector<8x3712xf32>
    %mul3A_125 = arith.mulf %sqrt3A, %sqrt3A : vector<8x3712xf32>
    %add3A_126 = arith.constant 9.99999997E-7 : f32
    %add3A_127 = vector.broadcast %add3A_126 : f32 to vector<8x3712xf32>
    %add3A_128 = arith.addf %mul3A_125, %add3A_127 : vector<8x3712xf32>
    %mul3A_129 = arith.constant 0.866999983 : f32
    %mul3A_130 = vector.broadcast %mul3A_129 : f32 to vector<8x3712xf32>
    %mul3A_131 = arith.mulf %mul3A_130, %add3A_128 : vector<8x3712xf32>
    %abs3A = math.absf %add3A_97 : vector<8x3712xf32>
    %gt3A = arith.cmpf ogt, %abs3A, %mul3A_131 : vector<8x3712xf32>
    %convert_element_type3A_132 = arith.extui %gt3A : vector<8x3712xi1> to vector<8x3712xi32>
    %mul3A_133 = arith.mulf %sqrt3A, %sqrt3A_123 : vector<8x3712xf32>
    %add3A_134 = arith.constant 9.99999997E-7 : f32
    %add3A_135 = vector.broadcast %add3A_134 : f32 to vector<8x3712xf32>
    %add3A_136 = arith.addf %mul3A_133, %add3A_135 : vector<8x3712xf32>
    %mul3A_137 = arith.constant 0.866999983 : f32
    %mul3A_138 = vector.broadcast %mul3A_137 : f32 to vector<8x3712xf32>
    %mul3A_139 = arith.mulf %mul3A_138, %add3A_136 : vector<8x3712xf32>
    %abs3A_140 = math.absf %add3A_102 : vector<8x3712xf32>
    %gt3A_141 = arith.cmpf ogt, %abs3A_140, %mul3A_139 : vector<8x3712xf32>
    %convert_element_type3A_142 = arith.extui %gt3A_141 : vector<8x3712xi1> to vector<8x3712xi32>
    %mul3A_143 = arith.mulf %sqrt3A, %sqrt3A_124 : vector<8x3712xf32>
    %add3A_144 = arith.constant 9.99999997E-7 : f32
    %add3A_145 = vector.broadcast %add3A_144 : f32 to vector<8x3712xf32>
    %add3A_146 = arith.addf %mul3A_143, %add3A_145 : vector<8x3712xf32>
    %mul3A_147 = arith.constant 0.866999983 : f32
    %mul3A_148 = vector.broadcast %mul3A_147 : f32 to vector<8x3712xf32>
    %mul3A_149 = arith.mulf %mul3A_148, %add3A_146 : vector<8x3712xf32>
    %abs3A_150 = math.absf %add3A_107 : vector<8x3712xf32>
    %gt3A_151 = arith.cmpf ogt, %abs3A_150, %mul3A_149 : vector<8x3712xf32>
    %convert_element_type3A_152 = arith.extui %gt3A_151 : vector<8x3712xi1> to vector<8x3712xi32>
    %mul3A_153 = arith.mulf %sqrt3A_123, %sqrt3A_123 : vector<8x3712xf32>
    %add3A_154 = arith.constant 9.99999997E-7 : f32
    %add3A_155 = vector.broadcast %add3A_154 : f32 to vector<8x3712xf32>
    %add3A_156 = arith.addf %mul3A_153, %add3A_155 : vector<8x3712xf32>
    %mul3A_157 = arith.constant 0.866999983 : f32
    %mul3A_158 = vector.broadcast %mul3A_157 : f32 to vector<8x3712xf32>
    %mul3A_159 = arith.mulf %mul3A_158, %add3A_156 : vector<8x3712xf32>
    %abs3A_160 = math.absf %add3A_112 : vector<8x3712xf32>
    %gt3A_161 = arith.cmpf ogt, %abs3A_160, %mul3A_159 : vector<8x3712xf32>
    %convert_element_type3A_162 = arith.extui %gt3A_161 : vector<8x3712xi1> to vector<8x3712xi32>
    %mul3A_163 = arith.mulf %sqrt3A_123, %sqrt3A_124 : vector<8x3712xf32>
    %add3A_164 = arith.constant 9.99999997E-7 : f32
    %add3A_165 = vector.broadcast %add3A_164 : f32 to vector<8x3712xf32>
    %add3A_166 = arith.addf %mul3A_163, %add3A_165 : vector<8x3712xf32>
    %mul3A_167 = arith.constant 0.866999983 : f32
    %mul3A_168 = vector.broadcast %mul3A_167 : f32 to vector<8x3712xf32>
    %mul3A_169 = arith.mulf %mul3A_168, %add3A_166 : vector<8x3712xf32>
    %abs3A_170 = math.absf %add3A_117 : vector<8x3712xf32>
    %gt3A_171 = arith.cmpf ogt, %abs3A_170, %mul3A_169 : vector<8x3712xf32>
    %convert_element_type3A_172 = arith.extui %gt3A_171 : vector<8x3712xi1> to vector<8x3712xi32>
    %mul3A_173 = arith.mulf %sqrt3A_124, %sqrt3A_124 : vector<8x3712xf32>
    %add3A_174 = arith.constant 9.99999997E-7 : f32
    %add3A_175 = vector.broadcast %add3A_174 : f32 to vector<8x3712xf32>
    %add3A_176 = arith.addf %mul3A_173, %add3A_175 : vector<8x3712xf32>
    %mul3A_177 = arith.constant 0.866999983 : f32
    %mul3A_178 = vector.broadcast %mul3A_177 : f32 to vector<8x3712xf32>
    %mul3A_179 = arith.mulf %mul3A_178, %add3A_176 : vector<8x3712xf32>
    %abs3A_180 = math.absf %add3A_122 : vector<8x3712xf32>
    %gt3A_181 = arith.cmpf ogt, %abs3A_180, %mul3A_179 : vector<8x3712xf32>
    %convert_element_type3A_182 = arith.extui %gt3A_181 : vector<8x3712xi1> to vector<8x3712xi32>
    %add3A_183 = arith.addi %convert_element_type3A_132, %convert_element_type3A_162 : vector<8x3712xi32>
    %add3A_184 = arith.addi %add3A_183, %convert_element_type3A_182 : vector<8x3712xi32>
    %add3A_185 = arith.addi %convert_element_type3A_142, %convert_element_type3A_152 : vector<8x3712xi32>
    %add3A_186 = arith.addi %add3A_185, %convert_element_type3A_172 : vector<8x3712xi32>
    %mul3A_187 = arith.constant 2 : i32
    %mul3A_188 = vector.broadcast %mul3A_187 : i32 to vector<8x3712xi32>
    %mul3A_189 = arith.muli %mul3A_188, %add3A_186 : vector<8x3712xi32>
    %add3A_190 = arith.addi %add3A_184, %mul3A_189 : vector<8x3712xi32>
    %gt3A_191 = arith.constant 3 : i32
    %gt3A_192 = vector.broadcast %gt3A_191 : i32 to vector<8x3712xi32>
    %gt3A_193 = arith.cmpi sgt, %add3A_190, %gt3A_192 : vector<8x3712xi32>
    %gt3A_194 = arith.constant 9.99999974E-6 : f32
    %gt3A_195 = vector.broadcast %gt3A_194 : f32 to vector<8x3712xf32>
    %gt3A_196 = arith.cmpf ogt, %squeeze3A_38, %gt3A_195 : vector<8x3712xf32>
    %gt3A_197 = arith.constant 9.99999974E-6 : f32
    %gt3A_198 = vector.broadcast %gt3A_197 : f32 to vector<8x3712xf32>
    %gt3A_199 = arith.cmpf ogt, %squeeze3A_58, %gt3A_198 : vector<8x3712xf32>
    %and3A = arith.andi %gt3A_196, %gt3A_199 : vector<8x3712xi1>
    %gt3A_200 = arith.constant 9.99999974E-6 : f32
    %gt3A_201 = vector.broadcast %gt3A_200 : f32 to vector<8x3712xf32>
    %gt3A_202 = arith.cmpf ogt, %squeeze3A_78, %gt3A_201 : vector<8x3712xf32>
    %and3A_203 = arith.andi %and3A, %gt3A_202 : vector<8x3712xi1>
    %abs3A_204 = math.absf %sub3A_85 : vector<8x3712xf32>
    %lt3A = arith.constant 5.000000e-03 : f32
    %lt3A_205 = vector.broadcast %lt3A : f32 to vector<8x3712xf32>
    %lt3A_206 = arith.cmpf olt, %abs3A_204, %lt3A_205 : vector<8x3712xf32>
    %abs3A_207 = math.absf %sub3A_88 : vector<8x3712xf32>
    %lt3A_208 = arith.constant 5.000000e-03 : f32
    %lt3A_209 = vector.broadcast %lt3A_208 : f32 to vector<8x3712xf32>
    %lt3A_210 = arith.cmpf olt, %abs3A_207, %lt3A_209 : vector<8x3712xf32>
    %or3A = arith.ori %lt3A_206, %lt3A_210 : vector<8x3712xi1>
    %abs3A_211 = math.absf %sub3A_91 : vector<8x3712xf32>
    %lt3A_212 = arith.constant 5.000000e-03 : f32
    %lt3A_213 = vector.broadcast %lt3A_212 : f32 to vector<8x3712xf32>
    %lt3A_214 = arith.cmpf olt, %abs3A_211, %lt3A_213 : vector<8x3712xf32>
    %or3A_215 = arith.ori %or3A, %lt3A_214 : vector<8x3712xi1>
    %abs3A_216 = math.absf %sub3A_86 : vector<8x3712xf32>
    %lt3A_217 = arith.constant 5.000000e-03 : f32
    %lt3A_218 = vector.broadcast %lt3A_217 : f32 to vector<8x3712xf32>
    %lt3A_219 = arith.cmpf olt, %abs3A_216, %lt3A_218 : vector<8x3712xf32>
    %abs3A_220 = math.absf %sub3A_89 : vector<8x3712xf32>
    %lt3A_221 = arith.constant 5.000000e-03 : f32
    %lt3A_222 = vector.broadcast %lt3A_221 : f32 to vector<8x3712xf32>
    %lt3A_223 = arith.cmpf olt, %abs3A_220, %lt3A_222 : vector<8x3712xf32>
    %or3A_224 = arith.ori %lt3A_219, %lt3A_223 : vector<8x3712xi1>
    %abs3A_225 = math.absf %sub3A_92 : vector<8x3712xf32>
    %lt3A_226 = arith.constant 5.000000e-03 : f32
    %lt3A_227 = vector.broadcast %lt3A_226 : f32 to vector<8x3712xf32>
    %lt3A_228 = arith.cmpf olt, %abs3A_225, %lt3A_227 : vector<8x3712xf32>
    %or3A_229 = arith.ori %or3A_224, %lt3A_228 : vector<8x3712xi1>
    %abs3A_230 = math.absf %sub3A_87 : vector<8x3712xf32>
    %lt3A_231 = arith.constant 5.000000e-03 : f32
    %lt3A_232 = vector.broadcast %lt3A_231 : f32 to vector<8x3712xf32>
    %lt3A_233 = arith.cmpf olt, %abs3A_230, %lt3A_232 : vector<8x3712xf32>
    %abs3A_234 = math.absf %sub3A_90 : vector<8x3712xf32>
    %lt3A_235 = arith.constant 5.000000e-03 : f32
    %lt3A_236 = vector.broadcast %lt3A_235 : f32 to vector<8x3712xf32>
    %lt3A_237 = arith.cmpf olt, %abs3A_234, %lt3A_236 : vector<8x3712xf32>
    %or3A_238 = arith.ori %lt3A_233, %lt3A_237 : vector<8x3712xi1>
    %abs3A_239 = math.absf %sub3A_93 : vector<8x3712xf32>
    %lt3A_240 = arith.constant 5.000000e-03 : f32
    %lt3A_241 = vector.broadcast %lt3A_240 : f32 to vector<8x3712xf32>
    %lt3A_242 = arith.cmpf olt, %abs3A_239, %lt3A_241 : vector<8x3712xf32>
    %or3A_243 = arith.ori %or3A_238, %lt3A_242 : vector<8x3712xi1>
    %and3A_244 = arith.andi %or3A_215, %or3A_229 : vector<8x3712xi1>
    %and3A_245 = arith.andi %and3A_244, %or3A_243 : vector<8x3712xi1>
    %or3A_246 = arith.ori %and3A_245, %gt3A_193 : vector<8x3712xi1>
    %not3A = arith.constant dense<true> : vector<8x3712xi1>
    %not3A_247 = arith.xori %or3A_246, %not3A : vector<8x3712xi1>
    %and3A_248 = arith.andi %and3A_203, %not3A_247 : vector<8x3712xi1>
    %eq3A_249 = arith.constant 0.000000e+00 : f32
    %eq3A_250 = vector.broadcast %eq3A_249 : f32 to vector<8x3712xf32>
    %eq3A_251 = arith.cmpf oeq, %squeeze3A_40, %eq3A_250 : vector<8x3712xf32>
    %eq3A_252 = arith.constant 0.000000e+00 : f32
    %eq3A_253 = vector.broadcast %eq3A_252 : f32 to vector<8x3712xf32>
    %eq3A_254 = arith.cmpf oeq, %squeeze3A_60, %eq3A_253 : vector<8x3712xf32>
    %eq3A_255 = arith.constant 0.000000e+00 : f32
    %eq3A_256 = vector.broadcast %eq3A_255 : f32 to vector<8x3712xf32>
    %eq3A_257 = arith.cmpf oeq, %squeeze3A_80, %eq3A_256 : vector<8x3712xf32>
    %jit3A = arith.constant 9.99999974E-5 : f32
    %broadcast_in_dim3A = vector.broadcast %jit3A : f32 to vector<8x3712xf32>
    %select_n3A = arith.select %eq3A_251, %broadcast_in_dim3A, %mul3A_43 : vector<8x3712xi1>, vector<8x3712xf32>
    %jit3A_258 = arith.constant 9.99999974E-5 : f32
    %broadcast_in_dim3A_259 = vector.broadcast %jit3A_258 : f32 to vector<8x3712xf32>
    %select_n3A_260 = arith.select %eq3A_254, %broadcast_in_dim3A_259, %mul3A_44 : vector<8x3712xi1>, vector<8x3712xf32>
    %jit3A_261 = arith.constant 9.99999974E-5 : f32
    %broadcast_in_dim3A_262 = vector.broadcast %jit3A_261 : f32 to vector<8x3712xf32>
    %select_n3A_263 = arith.select %eq3A_257, %broadcast_in_dim3A_262, %squeeze3A_40 : vector<8x3712xi1>, vector<8x3712xf32>
    %jit3A_264 = arith.constant 9.99999974E-5 : f32
    %broadcast_in_dim3A_265 = vector.broadcast %jit3A_264 : f32 to vector<8x3712xf32>
    %select_n3A_266 = arith.select %eq3A_251, %broadcast_in_dim3A_265, %mul3A_63 : vector<8x3712xi1>, vector<8x3712xf32>
    %jit3A_267 = arith.constant 9.99999974E-5 : f32
    %broadcast_in_dim3A_268 = vector.broadcast %jit3A_267 : f32 to vector<8x3712xf32>
    %select_n3A_269 = arith.select %eq3A_254, %broadcast_in_dim3A_268, %mul3A_64 : vector<8x3712xi1>, vector<8x3712xf32>
    %jit3A_270 = arith.constant 9.99999974E-5 : f32
    %broadcast_in_dim3A_271 = vector.broadcast %jit3A_270 : f32 to vector<8x3712xf32>
    %select_n3A_272 = arith.select %eq3A_257, %broadcast_in_dim3A_271, %squeeze3A_60 : vector<8x3712xi1>, vector<8x3712xf32>
    %jit3A_273 = arith.constant 9.99999974E-5 : f32
    %broadcast_in_dim3A_274 = vector.broadcast %jit3A_273 : f32 to vector<8x3712xf32>
    %select_n3A_275 = arith.select %eq3A_251, %broadcast_in_dim3A_274, %mul3A_83 : vector<8x3712xi1>, vector<8x3712xf32>
    %jit3A_276 = arith.constant 9.99999974E-5 : f32
    %broadcast_in_dim3A_277 = vector.broadcast %jit3A_276 : f32 to vector<8x3712xf32>
    %select_n3A_278 = arith.select %eq3A_254, %broadcast_in_dim3A_277, %mul3A_84 : vector<8x3712xi1>, vector<8x3712xf32>
    %jit3A_279 = arith.constant 9.99999974E-5 : f32
    %broadcast_in_dim3A_280 = vector.broadcast %jit3A_279 : f32 to vector<8x3712xf32>
    %select_n3A_281 = arith.select %eq3A_257, %broadcast_in_dim3A_280, %squeeze3A_80 : vector<8x3712xi1>, vector<8x3712xf32>
    %sub3A_282 = arith.subf %select_n3A_266, %select_n3A : vector<8x3712xf32>
    %sub3A_283 = arith.subf %select_n3A_269, %select_n3A_260 : vector<8x3712xf32>
    %sub3A_284 = arith.subf %select_n3A_272, %select_n3A_263 : vector<8x3712xf32>
    %sub3A_285 = arith.subf %select_n3A_275, %select_n3A : vector<8x3712xf32>
    %sub3A_286 = arith.subf %select_n3A_278, %select_n3A_260 : vector<8x3712xf32>
    %sub3A_287 = arith.subf %select_n3A_281, %select_n3A_263 : vector<8x3712xf32>
    %mul3A_288 = arith.mulf %sub3A_86, %sub3A_90 : vector<8x3712xf32>
    %mul3A_289 = arith.mulf %sub3A_87, %sub3A_89 : vector<8x3712xf32>
    %sub3A_290 = arith.subf %mul3A_288, %mul3A_289 : vector<8x3712xf32>
    %mul3A_291 = arith.mulf %sub3A_87, %sub3A_88 : vector<8x3712xf32>
    %mul3A_292 = arith.mulf %sub3A_85, %sub3A_90 : vector<8x3712xf32>
    %sub3A_293 = arith.subf %mul3A_291, %mul3A_292 : vector<8x3712xf32>
    %mul3A_294 = arith.mulf %sub3A_85, %sub3A_89 : vector<8x3712xf32>
    %mul3A_295 = arith.mulf %sub3A_86, %sub3A_88 : vector<8x3712xf32>
    %sub3A_296 = arith.subf %mul3A_294, %mul3A_295 : vector<8x3712xf32>
    %mul3A_297 = arith.mulf %sub3A_283, %sub3A_287 : vector<8x3712xf32>
    %mul3A_298 = arith.mulf %sub3A_284, %sub3A_286 : vector<8x3712xf32>
    %sub3A_299 = arith.subf %mul3A_297, %mul3A_298 : vector<8x3712xf32>
    %mul3A_300 = arith.mulf %sub3A_284, %sub3A_285 : vector<8x3712xf32>
    %mul3A_301 = arith.mulf %sub3A_282, %sub3A_287 : vector<8x3712xf32>
    %sub3A_302 = arith.subf %mul3A_300, %mul3A_301 : vector<8x3712xf32>
    %mul3A_303 = arith.mulf %sub3A_282, %sub3A_286 : vector<8x3712xf32>
    %mul3A_304 = arith.mulf %sub3A_283, %sub3A_285 : vector<8x3712xf32>
    %sub3A_305 = arith.subf %mul3A_303, %mul3A_304 : vector<8x3712xf32>
    %mul3A_306 = arith.mulf %sub3A_290, %sub3A_290 : vector<8x3712xf32>
    %mul3A_307 = arith.mulf %sub3A_293, %sub3A_293 : vector<8x3712xf32>
    %add3A_308 = arith.addf %mul3A_306, %mul3A_307 : vector<8x3712xf32>
    %mul3A_309 = arith.mulf %sub3A_296, %sub3A_296 : vector<8x3712xf32>
    %add3A_310 = arith.addf %add3A_308, %mul3A_309 : vector<8x3712xf32>
    %sqrt3A_311 = math.sqrt %add3A_310 : vector<8x3712xf32>
    %mul3A_312 = arith.mulf %sub3A_299, %sub3A_299 : vector<8x3712xf32>
    %mul3A_313 = arith.mulf %sub3A_302, %sub3A_302 : vector<8x3712xf32>
    %add3A_314 = arith.addf %mul3A_312, %mul3A_313 : vector<8x3712xf32>
    %mul3A_315 = arith.mulf %sub3A_305, %sub3A_305 : vector<8x3712xf32>
    %add3A_316 = arith.addf %add3A_314, %mul3A_315 : vector<8x3712xf32>
    %sqrt3A_317 = math.sqrt %add3A_316 : vector<8x3712xf32>
    %eq3A_318 = arith.constant 0.000000e+00 : f32
    %eq3A_319 = vector.broadcast %eq3A_318 : f32 to vector<8x3712xf32>
    %eq3A_320 = arith.cmpf oeq, %sqrt3A_311, %eq3A_319 : vector<8x3712xf32>
    %convert_element_type3A_321 = arith.extui %eq3A_320 : vector<8x3712xi1> to vector<8x3712xi32>
    %convert_element_type3A_322 = arith.sitofp %convert_element_type3A_321 : vector<8x3712xi32> to vector<8x3712xf32>
    %mul3A_323 = arith.constant 9.99999997E-7 : f32
    %mul3A_324 = vector.broadcast %mul3A_323 : f32 to vector<8x3712xf32>
    %mul3A_325 = arith.mulf %convert_element_type3A_322, %mul3A_324 : vector<8x3712xf32>
    %add3A_326 = arith.addf %sqrt3A_311, %mul3A_325 : vector<8x3712xf32>
    %div3A_327 = arith.constant 1.000000e+00 : f32
    %div3A_328 = vector.broadcast %div3A_327 : f32 to vector<8x3712xf32>
    %div3A_329 = arith.divf %div3A_328, %add3A_326 : vector<8x3712xf32>
    %eq3A_330 = arith.constant 0.000000e+00 : f32
    %eq3A_331 = vector.broadcast %eq3A_330 : f32 to vector<8x3712xf32>
    %eq3A_332 = arith.cmpf oeq, %sqrt3A_317, %eq3A_331 : vector<8x3712xf32>
    %convert_element_type3A_333 = arith.extui %eq3A_332 : vector<8x3712xi1> to vector<8x3712xi32>
    %convert_element_type3A_334 = arith.sitofp %convert_element_type3A_333 : vector<8x3712xi32> to vector<8x3712xf32>
    %mul3A_335 = arith.constant 9.99999997E-7 : f32
    %mul3A_336 = vector.broadcast %mul3A_335 : f32 to vector<8x3712xf32>
    %mul3A_337 = arith.mulf %convert_element_type3A_334, %mul3A_336 : vector<8x3712xf32>
    %add3A_338 = arith.addf %sqrt3A_317, %mul3A_337 : vector<8x3712xf32>
    %div3A_339 = arith.constant 1.000000e+00 : f32
    %div3A_340 = vector.broadcast %div3A_339 : f32 to vector<8x3712xf32>
    %div3A_341 = arith.divf %div3A_340, %add3A_338 : vector<8x3712xf32>
    %mul3A_342 = arith.mulf %sub3A_290, %div3A_329 : vector<8x3712xf32>
    %mul3A_343 = arith.mulf %sub3A_299, %div3A_341 : vector<8x3712xf32>
    %sub3A_344 = arith.subf %mul3A_342, %mul3A_343 : vector<8x3712xf32>
    %abs3A_345 = math.absf %sub3A_344 : vector<8x3712xf32>
    %mul3A_346 = arith.mulf %sub3A_293, %div3A_329 : vector<8x3712xf32>
    %mul3A_347 = arith.mulf %sub3A_302, %div3A_341 : vector<8x3712xf32>
    %sub3A_348 = arith.subf %mul3A_346, %mul3A_347 : vector<8x3712xf32>
    %abs3A_349 = math.absf %sub3A_348 : vector<8x3712xf32>
    %add3A_350 = arith.addf %abs3A_345, %abs3A_349 : vector<8x3712xf32>
    %mul3A_351 = arith.mulf %sub3A_296, %div3A_329 : vector<8x3712xf32>
    %mul3A_352 = arith.mulf %sub3A_305, %div3A_341 : vector<8x3712xf32>
    %sub3A_353 = arith.subf %mul3A_351, %mul3A_352 : vector<8x3712xf32>
    %abs3A_354 = math.absf %sub3A_353 : vector<8x3712xf32>
    %add3A_355 = arith.addf %add3A_350, %abs3A_354 : vector<8x3712xf32>
    %iota3A = tpu.iota {dimensions = array<i32: 0>} : vector<8x3712xi32>
    %mul3A_356 = arith.constant 3712 : i32
    %mul3A_357 = vector.broadcast %mul3A_356 : i32 to vector<8x3712xi32>
    %mul3A_358 = arith.muli %iota3A, %mul3A_357 : vector<8x3712xi32>
    %iota3A_359 = tpu.iota {dimensions = array<i32: 1>} : vector<8x3712xi32>
    %add3A_360 = arith.addi %mul3A_358, %iota3A_359 : vector<8x3712xi32>
    %lt3A_361 = arith.constant 29491 : i32
    %lt3A_362 = vector.broadcast %lt3A_361 : i32 to vector<8x3712xi32>
    %lt3A_363 = arith.cmpi slt, %add3A_360, %lt3A_362 : vector<8x3712xi32>
    %and3A_364 = arith.andi %and3A_248, %lt3A_363 : vector<8x3712xi1>
    %convert_element_type3A_365 = arith.extui %and3A_364 : vector<8x3712xi1> to vector<8x3712xi32>
    %convert_element_type3A_366 = arith.sitofp %convert_element_type3A_365 : vector<8x3712xi32> to vector<8x3712xf32>
    %get3A_367 = arith.constant 0 : index
    %get3A_368 = memref.load %arg5[%get3A_367] : memref<2xf32, #tpu.memory_space<smem>>
    %mul3A_369 = arith.mulf %add3A_355, %convert_element_type3A_366 : vector<8x3712xf32>
    %reduce_sum3A = vector.shape_cast %mul3A_369 : vector<8x3712xf32> to vector<1x8x3712xf32>
    %reduce_sum3A_370 = arith.constant dense<0.000000e+00> : vector<1xf32>
    %reduce_sum3A_371 = vector.multi_reduction <add>, %reduce_sum3A, %reduce_sum3A_370 [1, 2] : vector<1x8x3712xf32> to vector<1xf32>
    %reduce_sum3A_372 = vector.shape_cast %reduce_sum3A_371 : vector<1xf32> to vector<1x1x1xf32>
    %reduce_sum3A_373 = vector.extract %reduce_sum3A_372[0, 0, 0] : f32 from vector<1x1x1xf32>
    %add3A_374 = arith.addf %get3A_368, %reduce_sum3A_373 : f32
    %swap3A = arith.constant 0 : index
    %swap3A_375 = memref.load %arg5[%swap3A] : memref<2xf32, #tpu.memory_space<smem>>
    memref.store %add3A_374, %arg5[%swap3A] : memref<2xf32, #tpu.memory_space<smem>>
    %get3A_376 = arith.constant 1 : index
    %get3A_377 = memref.load %arg5[%get3A_376] : memref<2xf32, #tpu.memory_space<smem>>
    %reduce_sum3A_378 = vector.shape_cast %convert_element_type3A_366 : vector<8x3712xf32> to vector<1x8x3712xf32>
    %reduce_sum3A_379 = arith.constant dense<0.000000e+00> : vector<1xf32>
    %reduce_sum3A_380 = vector.multi_reduction <add>, %reduce_sum3A_378, %reduce_sum3A_379 [1, 2] : vector<1x8x3712xf32> to vector<1xf32>
    %reduce_sum3A_381 = vector.shape_cast %reduce_sum3A_380 : vector<1xf32> to vector<1x1x1xf32>
    %reduce_sum3A_382 = vector.extract %reduce_sum3A_381[0, 0, 0] : f32 from vector<1x1x1xf32>
    %add3A_383 = arith.addf %get3A_377, %reduce_sum3A_382 : f32
    %swap3A_384 = arith.constant 1 : index
    %swap3A_385 = memref.load %arg5[%swap3A_384] : memref<2xf32, #tpu.memory_space<smem>>
    memref.store %add3A_383, %arg5[%swap3A_384] : memref<2xf32, #tpu.memory_space<smem>>
    %eq3A_386 = arith.constant 3 : i32
    %eq3A_387 = arith.cmpi eq, %arg0, %eq3A_386 : i32
    %convert_element_type3A_388 = arith.extui %eq3A_387 : i1 to i32
    %cond3A_389 = arith.constant 0 : i32
    %cond3A_390 = arith.cmpi ne, %convert_element_type3A_388, %cond3A_389 : i32
    scf.if %cond3A_390 {
      %get3A_391 = arith.constant 0 : index
      %get3A_392 = memref.load %arg5[%get3A_391] : memref<2xf32, #tpu.memory_space<smem>>
      %get3A_393 = arith.constant 1 : index
      %get3A_394 = memref.load %arg5[%get3A_393] : memref<2xf32, #tpu.memory_space<smem>>
      %mul3A_395 = arith.constant 3.000000e+00 : f32
      %mul3A_396 = arith.mulf %get3A_394, %mul3A_395 : f32
      %add3A_397 = arith.constant 9.99999997E-7 : f32
      %add3A_398 = arith.addf %mul3A_396, %add3A_397 : f32
      %div3A_399 = arith.divf %get3A_392, %add3A_398 : f32
      %swap3A_400 = arith.constant 0 : index
      %swap3A_401 = arith.constant 0 : index
      %swap3A_402 = memref.load %arg4[%swap3A_400, %swap3A_401] : memref<1x1xf32, #tpu.memory_space<smem>>
      memref.store %div3A_399, %arg4[%swap3A_400, %swap3A_401] : memref<1x1xf32, #tpu.memory_space<smem>>
    } else {
    }
    return
  }
  func.func @transform_0(%arg0: i32) -> (i32, i32, i32, i32, i32) {
    %c0_i32 = arith.constant 0 : i32
    %c0_i32_0 = arith.constant 0 : i32
    %c0_i32_1 = arith.constant 0 : i32
    %c0_i32_2 = arith.constant 0 : i32
    %c0_i32_3 = arith.constant 0 : i32
    return %c0_i32, %c0_i32_0, %arg0, %c0_i32_1, %c0_i32_2 : i32, i32, i32, i32, i32
  }
  func.func @transform_1(%arg0: i32) -> (i32, i32, i32, i32) {
    %c0_i32 = arith.constant 0 : i32
    %c0_i32_0 = arith.constant 0 : i32
    %c0_i32_1 = arith.constant 0 : i32
    %c0_i32_2 = arith.constant 0 : i32
    return %c0_i32, %arg0, %c0_i32_0, %c0_i32_1 : i32, i32, i32, i32
  }
  func.func @transform_2(%arg0: i32) -> (i32, i32) {
    %c0_i32 = arith.constant 0 : i32
    %c0_i32_0 = arith.constant 0 : i32
    %c0_i32_1 = arith.constant 0 : i32
    return %c0_i32, %c0_i32_0 : i32, i32
  }
  func.func @transform_3(%arg0: i32) -> (i32, i32) {
    %c0_i32 = arith.constant 0 : i32
    %c0_i32_0 = arith.constant 0 : i32
    %c0_i32_1 = arith.constant 0 : i32
    return %c0_i32, %c0_i32_0 : i32, i32
  }
}

</mosaic_0001>

<sc_bundles>
// kernel: kernel.4.cloned.1.call-start
scs
__scs_entry_jumppad:
0x0: {  	(pc) =	sbr.rel $0x88, $3  }
0x1: {  	(tag) =	ssettag $0x0;
	lr =	simm.s32 $0x1  }
0x2: {  	[smem:$0x3F9E] =	sst lr;
	_ =	strace $0xD0000000  }
0x3: {  	_ = 	snop  }
0x4: {  	_ = 	snop  }
0x5: {  	_ = 	snop  }
0x6: {  	_ = 	snop  }
0x7: {  	_ = 	snop  }
__scs_overlays_trampoline_lowered:
0x8: {  	[smem:$0x3FAD] =	sst s0  }
0x9: {  	[smem:$0x3FAE] =	sst s1  }
0xa: {  	[smem:$0x3FAF] =	sst s2  }
0xb: {  	[smem:$0x3FB0] =	sst s3  }
0xc: {  	[smem:$0x3FB1] =	sst s4  }
0xd: {  	[smem:$0x3FB2] =	sst s5  }
0xe: {  	[smem:$0x3FB3] =	sst s6  }
0xf: {  	[smem:$0x3FB4] =	sst s7  }
0x10: {  	[smem:$0x3FB5] =	sst s8  }
0x11: {  	[smem:$0x3FB6] =	sst s9;
	s0 =	simm.s32 @!p0 $0x0  }
0x12: {  	s1 =	sld [smem:$0x3F9C];
	s0 =	simm.s32 @p0 $0x1  }
0x13: {  	[smem:$0x3FB7] =	sst s0;
	s0 =	simm.s32 @!p1 $0x0  }
0x14: {  	s2 =	sld [smem:$0x3F9B];
	s0 =	simm.s32 @p1 $0x1  }
0x15: {  	[smem:$0x3FB8] =	sst s0;
	s0 =	simm.s32 @!p2 $0x0  }
0x16: {  	s3 =	sld [smem:$0x3FDB];
	s0 =	simm.s32 @p2 $0x1  }
0x17: {  	s4 =	simm.s32 $0x1BF5;
	[smem:$0x3FBA] =	sst s0  }
0x18: {  	s0 =	sld [smem:$0x3F9D];
	_ =	swait.ge [sflag:s4], $0x0  }
0x19: {  	s7 =	sld [smem:$0x3F9E]  }
0x1a: {  	s8 =	sadd.s32 $0xFFFFE003, lr  }
0x1b: {  	s9 =	sadd.s32 $0xFFFFFEF7, lr;
	s5 =	simm.s32 $0xFFFFFFFF;
	p2 =	slt.u32 s8, $0xFFFFF086  }
0x1c: {  	p1 =	slt.u32 s9, $0xF7A;
	s5 =	simm.s32 @!p2 $0x0  }
0x1d: {  	s5 =	simm.s32 @p1 $0x1;
	p0 =	seq.s32 s7, s2  }
0x1e: {  	s7 =	smul.u32 @!p0 $0xF7A, s2;
	p2 =	seq.s32 @!p0 s5, $0x0  }
0x1f: {  	s9 =	smul.u32 $0xF7A, s1;
	s8 =	simm.s32 @!p0 $0x1BF5;
	p2 =	por !p2, p0  }
0x20: {  	[sflag:s8] =	ssyncset.s32 @!p0 $0xFFFFF086;
	s6 =	sadd.s32 @!p0 s3, s7;
	s7 =	simm.s32 @!p0 $0x108  }
0x21: {  	s3 =	sadd.s32 s3, s9;
	s6 =	sadd.s32 @!p0 $0x88, s6;
	s7 =	simm.s32 @p2 $0x1082  }
0x22: {  	[simem:s7], [sflag:s8] =	dma.local @!p0 [hbm:s6], $0xF7A  }
0x23: {  	s9 =	sor.u32 $0xD0000000, s2;
	s6 =	simm.s32 $0x108;
	_ =	swait.ge @!p0 [sflag:s8], $0x0  }
0x24: {  	s3 =	sadd.s32 $0x88, s3;
	s6 =	simm.s32 @!p1 $0x1082;
	[sflag:s4] =	ssyncset.s32 $0xFFFFF086  }
0x25: {  	[simem:s6], [sflag:s4] =	dma.local [hbm:s3], $0xF7A  }
0x26: {  	[smem:$0x3F9E] =	sst s1;
	(tag) =	ssettag s2;
	_ =	strace s9  }
0x27: {  	s1 =	sld [smem:$0x3FAE]  }
0x28: {  	s2 =	sld [smem:$0x3FAF]  }
0x29: {  	s4 =	sld [smem:$0x3FB1]  }
0x2a: {  	p0 =	seq.s32 s5, $0x0;
	s5 =	sld [smem:$0x3FB2]  }
0x2b: {  	s6 =	sld [smem:$0x3FB3]  }
0x2c: {  	s7 =	sld [smem:$0x3FB4]  }
0x2d: {  	s3 =	simm.s32 $0x108;
	s8 =	sld [smem:$0x3FB5]  }
0x2e: {  	s3 =	simm.s32 @!p0 $0x1082;
	s9 =	sld [smem:$0x3FB6]  }
0x2f: {  	lr =	sadd.s32 s0, s3;
	s0 =	sld [smem:$0x3FAD]  }
0x30: {  	s3 =	sld [smem:$0x3FB0]  }
0x31: {  	[smem:$0x3FB9] =	sst s10  }
0x32: {  	s10 =	sld [smem:$0x3FB7];
	_ =	sdelay $0x3  }
0x33: {  	p0 =	seq.s32 s10, $0x1;
	s10 =	sld [smem:$0x3FB9];
	_ =	sdelay $0x3  }
0x34: {  	[smem:$0x3FB9] =	sst s10  }
0x35: {  	s10 =	sld [smem:$0x3FB8];
	_ =	sdelay $0x3  }
0x36: {  	p1 =	seq.s32 s10, $0x1;
	s10 =	sld [smem:$0x3FB9];
	_ =	sdelay $0x3  }
0x37: {  	[smem:$0x3FB9] =	sst s10  }
0x38: {  	s10 =	sld [smem:$0x3FBA]  }
0x39: {  	_ = 	snop;
	(pc) =	sbr.ind lr, $3  }
0x3a: {  	_ = 	snop  }
0x3b: {  	_ = 	snop  }
0x3c: {  	p2 =	seq.s32 s10, $0x1;
	s10 =	sld [smem:$0x3FB9]  }
0x3d: {  	_ =	shalt  }
0x3e: {  	_ =	shalt  }
0x3f: {  	_ =	shalt  }
0x40: {  	_ =	shalt  }
0x41: {  	_ =	shalt  }
0x42: {  	_ =	shalt  }
0x43: {  	_ =	shalt  }
0x44: {  	_ =	shalt  }
0x45: {  	_ =	shalt  }
0x46: {  	_ =	shalt  }
0x47: {  	_ =	shalt  }
0x48: {  	_ =	shalt  }
0x49: {  	_ =	shalt  }
0x4a: {  	_ =	shalt  }
0x4b: {  	_ =	shalt  }
0x4c: {  	_ =	shalt  }
0x4d: {  	_ =	shalt  }
0x4e: {  	_ =	shalt  }
0x4f: {  	_ =	shalt  }
0x50: {  	_ =	shalt  }
0x51: {  	_ =	shalt  }
0x52: {  	_ =	shalt  }
0x53: {  	_ =	shalt  }
0x54: {  	_ =	shalt  }
0x55: {  	_ =	shalt  }
0x56: {  	_ =	shalt  }
0x57: {  	_ =	shalt  }
0x58: {  	_ =	shalt  }
0x59: {  	_ =	shalt  }
0x5a: {  	_ =	shalt  }
0x5b: {  	_ =	shalt  }
0x5c: {  	_ =	shalt  }
0x5d: {  	_ =	shalt  }
0x5e: {  	_ =	shalt  }
0x5f: {  	_ =	shalt  }
0x60: {  	_ =	shalt  }
0x61: {  	_ =	shalt  }
0x62: {  	_ =	shalt  }
0x63: {  	_ =	shalt  }
0x64: {  	_ =	shalt  }
0x65: {  	_ =	shalt  }
0x66: {  	_ =	shalt  }
0x67: {  	_ =	shalt  }
0x68: {  	_ =	shalt  }
0x69: {  	_ =	shalt  }
0x6a: {  	_ =	shalt  }
0x6b: {  	_ =	shalt  }
0x6c: {  	_ =	shalt  }
0x6d: {  	_ =	shalt  }
0x6e: {  	_ =	shalt  }
0x6f: {  	_ =	shalt  }
0x70: {  	_ =	shalt  }
0x71: {  	_ =	shalt  }
0x72: {  	_ =	shalt  }
0x73: {  	_ =	shalt  }
0x74: {  	_ =	shalt  }
0x75: {  	_ =	shalt  }
0x76: {  	_ =	shalt  }
0x77: {  	_ =	shalt  }
0x78: {  	_ =	shalt  }
0x79: {  	_ =	shalt  }
0x7a: {  	_ =	shalt  }
0x7b: {  	_ =	shalt  }
0x7c: {  	_ =	shalt  }
0x7d: {  	_ =	shalt  }
0x7e: {  	_ =	shalt  }
0x7f: {  	_ =	shalt  }
0x80: {  	_ =	shalt  }
0x81: {  	_ =	shalt  }
0x82: {  	_ =	shalt  }
0x83: {  	_ =	shalt  }
0x84: {  	_ =	shalt  }
0x85: {  	_ =	shalt  }
0x86: {  	_ =	shalt  }
0x87: {  	_ =	shalt  }
.Lfunc_end0:
.L_simem_size_0:
called_computation_lowered:
.L_overlay_start_0:
0x88: {  	s2 =	sld [smem:$0x3FD9]  }
0x89: {  	s3 =	sld [smem:$0x3FFE];
	_ =	sdelay $0x1  }
0x8a: {  	s1 =	srdreg.scid  }
0x8b: {  	s0 =	sand.u32 $0x1, s1  }
0x8c: {  	s16 =	sshll.u32 s0, $0xA;
	s2 =	sadd.s32 s3, s2  }
0x8d: {  	s2 =	sadd.s32 s2, s16  }
0x8e: {  	[smem:$0x3FC5] =	sst s2  }
0x8f: {  	_ = 	snop  }
0x90: {  	(tm) =	ssettm $0x1  }
0x91: {  	s17 =	sld [smem:$0x3FFB];
	_ =	sdelay $0x3  }
0x92: {  	_ =	strace s17  }
0x93: {  	s2 =	sld [smem:$0x3FFC];
	_ =	sdelay $0x3  }
0x94: {  	_ =	strace s2  }
0x95: {  	s2 =	sld [smem:$0x3FFD];
	_ =	sdelay $0x3  }
0x96: {  	_ =	strace s2  }
0x97: {  	_ =	strace $0x8FFFFFFF  }
0x98: {  	s18 =	sld [smem:$0x3FDB];
	_ =	sdelay $0x1  }
0x99: {  	s19 =	simm.s32 $_scs_section_size  }
0x9a: {  	s4 =	simm.s32 $_size__tile_overlayer_lowered;
	s5 =	simm.s32 $_tile_overlayer_lowered  }
0x9b: {  	s22 =	simm.s32 $0x1BFF;
	s21 =	sshll.u32 s5, $0x1;
	s2 =	sadd.s32 s19, s18  }
0x9c: {  	s6 =	simm.s32 $0x0;
	s20 =	sshll.u32 s4, $0x1;
	s4 =	sadd.s32 s21, s2  }
0x9d: {  	[timem:s6], [sflag:s22] =	dma.local [hbm:s4], s20  }
0x9e: {  	_ =	swait.ge [sflag:s22], s20  }
0x9f: {  	s3 =	ssub.s32 $0x0, s20;
	[sflag:s22] =	ssyncset.done $0x0  }
0xa0: {  	[sflag:s22] =	ssyncadd.s32 s3;
	_ =	sdelay $0x1  }
0xa1: {  	s23 =	simm.s32 $0x1B8B  }
0xa2: {  	_ =	swait.ge [sflag:s23], $0x1  }
0xa3: {  	[sflag:s23] =	ssyncset.done $0x0  }
0xa4: {  	s25 =	simm.s32 $0x1B8E;
	s24 =	sld [smem:$0x3FFE];
	[sflag:s23] =	ssyncadd.s32 $0xFFFFFFFF  }
0xa5: {  	s26 =	simm.s32 $execute0_lowered;
	[smem:$0x3FD2] =	sst s25  }
0xa6: {  	s4 =	sshll.u32 s26, $0x1;
	_ =	strace $0x80000046;
	[dreg:$0x1] =	wrdreg $0xFFFFFFFF  }
0xa7: {  	s28 =	simm.s32 $_size_execute0_lowered;
	s2 =	sadd.s32 s2, s4;
	[dreg:$0x0] =	wrdreg $0x0  }
0xa8: {  	s4 =	sshll.u32 s28, $0x1;
	[dreg:$0x2] =	wrdreg s2  }
0xa9: {  	[dreg:$0x3] =	wrdreg s4  }
0xaa: {  	[dreg:$0x4] =	wrdreg $0xC0  }
0xab: {  	_ =	task [dreg:s6], $0x5FFFF  }
0xac: {  	[dreg:$0x1] =	wrdreg $0xFFFFFFFF  }
0xad: {  	[dreg:$0x0] =	wrdreg $0x60  }
0xae: {  	[dreg:$0x2] =	wrdreg s24  }
0xaf: {  	[dreg:$0x3] =	wrdreg $0x9  }
0xb0: {  	_ =	task.clear_ibuf [dreg:s6], $0x4FFFF;
	_ =	strace $0x90000046  }
0xb1: {  	s29 =	simm.s32 $0x9;
	_ =	strace $0x80000048  }
0xb2: {  	_ =	swait.ge [sflag:s29], $0x1  }
0xb3: {  	[sflag:s29] =	ssyncadd.s32 $0xFFFFFFFF  }
0xb4: {  	_ =	strace $0x90000048  }
0xb5: {  	_ =	sfence  }
0xb6: {  	s30 =	sld [smem:$0x0];
	_ =	sdelay $0x2  }
0xb7: {  	s31 =	sshll.u32 s1, $0xD;
	s1 =	sshrl.u32 s1, $0x2  }
0xb8: {  	s3 =	sand.u32 $0x4000, s31;
	s1 =	sadd.s32 s1, s30  }
0xb9: {  	s0 =	sor.u32 s3, s0;
	s1 =	sshll.u32 s1, $0x11  }
0xba: {  	s0 =	sor.u32 s1, s0  }
0xbb: {  	s0 =	sadd.s32 $0x8F2B, s0  }
0xbc: {  	[sflag:s0] =	ssyncadd.remote.s32 $0x1  }
0xbd: {  	_ =	sfence.sel $0xFFFF  }
0xbe: {  	[dreg:$0x0] =	wrdreg $0xFFFFFFFF;
	(pc) =	sbr.abs _section_cstart, $3  }
0xbf: {  	[dreg:$0x1] =	wrdreg $0xFFFFFFFF  }
0xc0: {  	_ =	task.clear_ibuf [dreg:s6], $0x2FFFF;
	_ =	strace $0x9FFFFFFF  }
0xc1: {  	(tm) =	ssettm $0x7FFFFFFF  }
tec
execute0_lowered:
.L_overlay_start_1:
0x0: {  	(tag) =	ssettag $0x1  }
0x1: {  	s7 =	rddreg [dreg:$0x0];
	s1 =	stileid.u32  }
0x2: {  	s0 =	rddreg [dreg:$0x1];
	s13 =	smul.u32 $0x3, s1  }
0x3: {  	s3 =	srdreg.scid;
	s2 =	sshrl.u32 s1, $0x3;
	s19 =	smul.u32 $0x300, s1  }
0x4: {  	s15 =	sshll.u32 s1, $0x7;
	s17 =	sand.u32 $0x1, s3;
	s4 =	smul.u32 $0x2B800, s2  }
0x5: {  	s9 =	simm.s32 $0x12E00;
	s16 =	smul.u32 $0x57000, s17;
	s6 =	sand.u32 $0x380, s15  }
0x6: {  	s2 =	simm.s32 $0x0;
	p0 =	seq.s32 s17, $0x1;
	s28 =	ssub.s32 $0x2, s17  }
0x7: {  	s18 =	sshrl.u32 s13, $0x4;
	s5 =	sshrl.u32 s13, $0x2;
	[smem:$0x7FF] =	sst s2  }
0x8: {  	s10 =	sadd.s32 $0x1, s13;
	s9 =	simm.s32 @!p0 $0xE00;
	s30 =	sshrl.u32 s28, $0x1  }
0x9: {  	s3 =	smul.u32 $0x1D000, s18;
	s5 =	sand.u32 $0x3, s5;
	s4 =	sor.u32 s6, s4  }
0xa: {  	_ =	strace $0x80000047;
	s18 =	sadd.s32 $0x2FC00, s7;
	s6 =	sand.u32 $0x300, s19  }
0xb: {  	s21 =	sshrl.u32 s10, $0x4;
	s5 =	smul.u32 $0x7400, s5;
	s4 =	sshrl.u32 s4, $0x3  }
0xc: {  	s8 =	sshrl.u32 s10, $0x2;
	s4 =	sadd.s32 s4, s7;
	s3 =	sadd.s32 s16, s3  }
0xd: {  	s5 =	sadd.s32 s5, s3;
	s3 =	sadd.s32 $0x24E00, s4;
	s4 =	simm.s32 $0x80  }
0xe: {  	s20 =	sor.u32 s6, s5;
	s6 =	simm.s32 $0x400;
	s5 =	simm.s32 $0x2  }
0xf: {  	[tilespmem:s2], [sflag:$0x2] =	stream.strided.gather [hbm4b:s3+s4], $0x5700, s6, s4, $0x38;
	[tilespmem:$0xAE00] =	vst v63  }
0x10: {  	s10 =	sshll.u32 s10, $0x8;
	s8 =	sand.u32 $0x3, s8;
	_ =	swait.ge [sflag:s5], $0x5700  }
0x11: {  	s14 =	smul.u32 $0x7400, s8;
	s7 =	sadd.s32 s9, s7;
	[sflag:s5] =	ssyncset.done $0x0  }
0x12: {  	s8 =	simm.s32 $0x5700;
	s9 =	simm.s32 $0x1;
	[sflag:s5] =	ssyncadd.s32 $0xFFFFA900  }
0x13: {  	[tilespmem:s8], [sflag:$0x1] =	stream.indirect.gather [hbm4b:s7+s8], $0x1, s2, s8, $0xb8;
	[tilespmem:$0xAE00] =	vst v63  }
0x14: {  	s19 =	sadd.s32 $0x2, s13;
	s13 =	simm.s32 $0x6580;
	_ =	swait.ge [sflag:s9], $0x5700  }
0x15: {  	s12 =	smul.u32 $0x1D000, s21;
	s11 =	sshrl.u32 s20, $0x3;
	[sflag:s9] =	ssyncset.done $0x0  }
0x16: {  	s22 =	sand.u32 $0x300, s10;
	s10 =	sadd.s32 s18, s11;
	[sflag:s9] =	ssyncadd.s32 $0xFFFFA900  }
0x17: {  	[hbm4b:s10+s4] =	stream.strided.scatter [tilespmem:s8], [sflag:$0x2], $0xE80, s6, s4, $0x38;
	[tilespmem:$0xAE00] =	vst v63  }
0x18: {  	s24 =	sshrl.u32 s19, $0x4;
	s15 =	sshrl.u32 s19, $0x2;
	_ =	swait.ge [sflag:s5], $0xE80  }
0x19: {  	s26 =	sshll.u32 s19, $0x8;
	s12 =	sadd.s32 s16, s12;
	[sflag:s5] =	ssyncset.done $0x0  }
0x1a: {  	s12 =	sadd.s32 s14, s12;
	s11 =	sadd.s32 $0x10, s10;
	[sflag:s5] =	ssyncadd.s32 $0xFFFFF180  }
0x1b: {  	[hbm4b:s11+s4] =	stream.strided.scatter [tilespmem:s13], [sflag:$0x2], $0xE80, s6, s4, $0x38;
	[tilespmem:$0xAE00] =	vst v63  }
0x1c: {  	s25 =	sand.u32 $0x3, s15;
	s23 =	sor.u32 s22, s12;
	_ =	swait.ge [sflag:s5], $0xE80  }
0x1d: {  	s14 =	simm.s32 $0x7400;
	s12 =	sshrl.u32 s23, $0x3;
	[sflag:s5] =	ssyncset.done $0x0  }
0x1e: {  	s20 =	smul.u32 $0x1D000, s24;
	s12 =	sadd.s32 s18, s12;
	[sflag:s5] =	ssyncadd.s32 $0xFFFFF180  }
0x1f: {  	[hbm4b:s12+s4] =	stream.strided.scatter [tilespmem:s14], [sflag:$0x2], $0xE80, s6, s4, $0x38;
	[tilespmem:$0xAE00] =	vst v63  }
0x20: {  	s19 =	sand.u32 $0x300, s26;
	s21 =	smul.u32 $0x7400, s25;
	_ =	swait.ge [sflag:s5], $0xE80  }
0x21: {  	s16 =	sadd.s32 s16, s20;
	s15 =	sadd.s32 $0x10, s12;
	[sflag:s5] =	ssyncset.done $0x0  }
0x22: {  	s20 =	sadd.s32 s21, s16;
	s16 =	simm.s32 $0x8280;
	[sflag:s5] =	ssyncadd.s32 $0xFFFFF180  }
0x23: {  	[hbm4b:s15+s4] =	stream.strided.scatter [tilespmem:s16], [sflag:$0x2], $0xE80, s6, s4, $0x38;
	[tilespmem:$0xAE00] =	vst v63  }
0x24: {  	s19 =	sor.u32 s19, s20;
	s20 =	ssub.s32 s28, s30;
	_ =	swait.ge [sflag:s5], $0xE80  }
0x25: {  	s29 =	sshrl.u32 s19, $0x3;
	s31 =	smax.u32 s20, $0x1;
	[sflag:s5] =	ssyncset.done $0x0  }
0x26: {  	s17 =	sadd.s32 s18, s29;
	s18 =	simm.s32 $0x9100;
	[sflag:s5] =	ssyncadd.s32 $0xFFFFF180  }
0x27: {  	[hbm4b:s17+s4] =	stream.strided.scatter [tilespmem:s18], [sflag:$0x2], $0xE80, s6, s4, $0x38;
	[tilespmem:$0xAE00] =	vst v63  }
0x28: {  	p0 =	sne.s32 s31, $0x1;
	_ =	swait.ge [sflag:s5], $0xE80  }
.Ltmp0:
0x29: {  	[sflag:s5] =	ssyncset.done $0x0;
	(pc) =	sbr.rel @!p0 .LBB2_2-.Ltmp0, $4  }
0x2a: {  	s20 =	simm.s32 $0x9F80;
	s19 =	sadd.s32 $0x10, s17;
	[sflag:s5] =	ssyncadd.s32 $0xFFFFF180  }
0x2b: {  	[hbm4b:s19+s4] =	stream.strided.scatter [tilespmem:s20], [sflag:$0x2], $0xE80, s6, s4, $0x38;
	[tilespmem:$0xAE00] =	vst v63  }
0x2c: {  	_ =	swait.ge [sflag:s5], $0xE80  }
0x2d: {  	s21 =	sadd.s32 $0xFFFFFFFF, s31;
	[sflag:s5] =	ssyncset.done $0x0  }
.LBB2_1:
0x2e: {  	p0 =	sne.s32 s21, $0x1;
	s21 =	sadd.s32 $0xFFFFFFFF, s21;
	[sflag:s5] =	ssyncadd.s32 $0xFFFFF180  }
0x2f: {  	[tilespmem:s2], [sflag:$0x2] =	stream.strided.gather [hbm4b:s3+s4], $0x5700, s6, s4, $0x38;
	[tilespmem:$0xAE00] =	vst v63  }
0x30: {  	_ =	swait.ge [sflag:s5], $0x5700  }
0x31: {  	[sflag:s5] =	ssyncset.done $0x0  }
0x32: {  	[sflag:s5] =	ssyncadd.s32 $0xFFFFA900  }
0x33: {  	[tilespmem:s8], [sflag:$0x1] =	stream.indirect.gather [hbm4b:s7+s8], $0x1, s2, s8, $0xb8;
	[tilespmem:$0xAE00] =	vst v63  }
0x34: {  	_ =	swait.ge [sflag:s9], $0x5700  }
0x35: {  	[sflag:s9] =	ssyncset.done $0x0  }
0x36: {  	[sflag:s9] =	ssyncadd.s32 $0xFFFFA900  }
0x37: {  	[hbm4b:s10+s4] =	stream.strided.scatter [tilespmem:s8], [sflag:$0x2], $0xE80, s6, s4, $0x38;
	[tilespmem:$0xAE00] =	vst v63  }
0x38: {  	_ =	swait.ge [sflag:s5], $0xE80  }
0x39: {  	[sflag:s5] =	ssyncset.done $0x0  }
0x3a: {  	[sflag:s5] =	ssyncadd.s32 $0xFFFFF180  }
0x3b: {  	[hbm4b:s11+s4] =	stream.strided.scatter [tilespmem:s13], [sflag:$0x2], $0xE80, s6, s4, $0x38;
	[tilespmem:$0xAE00] =	vst v63  }
0x3c: {  	_ =	swait.ge [sflag:s5], $0xE80  }
0x3d: {  	[sflag:s5] =	ssyncset.done $0x0  }
0x3e: {  	[sflag:s5] =	ssyncadd.s32 $0xFFFFF180  }
0x3f: {  	[hbm4b:s12+s4] =	stream.strided.scatter [tilespmem:s14], [sflag:$0x2], $0xE80, s6, s4, $0x38;
	[tilespmem:$0xAE00] =	vst v63  }
0x40: {  	_ =	swait.ge [sflag:s5], $0xE80  }
0x41: {  	[sflag:s5] =	ssyncset.done $0x0  }
0x42: {  	[sflag:s5] =	ssyncadd.s32 $0xFFFFF180  }
0x43: {  	[hbm4b:s15+s4] =	stream.strided.scatter [tilespmem:s16], [sflag:$0x2], $0xE80, s6, s4, $0x38;
	[tilespmem:$0xAE00] =	vst v63  }
0x44: {  	_ =	swait.ge [sflag:s5], $0xE80  }
0x45: {  	[sflag:s5] =	ssyncset.done $0x0  }
0x46: {  	[sflag:s5] =	ssyncadd.s32 $0xFFFFF180  }
0x47: {  	[hbm4b:s17+s4] =	stream.strided.scatter [tilespmem:s18], [sflag:$0x2], $0xE80, s6, s4, $0x38;
	[tilespmem:$0xAE00] =	vst v63  }
0x48: {  	_ =	swait.ge [sflag:s5], $0xE80  }
.Ltmp1:
0x49: {  	[sflag:s5] =	ssyncset.done $0x0;
	(pc) =	sbr.rel @p0 .LBB2_1-.Ltmp1, $4  }
0x4a: {  	[sflag:s5] =	ssyncadd.s32 $0xFFFFF180  }
0x4b: {  	[hbm4b:s19+s4] =	stream.strided.scatter [tilespmem:s20], [sflag:$0x2], $0xE80, s6, s4, $0x38;
	[tilespmem:$0xAE00] =	vst v63  }
0x4c: {  	_ =	swait.ge [sflag:s5], $0xE80  }
0x4d: {  	[sflag:s5] =	ssyncset.done $0x0  }
.LBB2_2:
0x4e: {  	[sflag:s5] =	ssyncadd.s32 $0xFFFFF180  }
0x4f: {  	_ =	sfence.sel $0x180000  }
0x50: {  	[bflag:$0x0] =	sbarrier.arrive $0xFFFF  }
0x51: {  	p0 =	sne.s32 s1, $0x0;
	_ =	strace $0x90000047  }
0x52: {  	s0 =	sadd.s32 @!p0 $0x100000, s0;
	[bflag:$0x2] =	sbarrier.arrive $0xFFFF  }
0x53: {  	[sflag:s0] =	ssyncadd.tile.s32 @!p0 $0x1;
	_ =	shalt  }
.Lfunc_end2:
_tile_overlayer_lowered:
.L_overlay_start_2:
0x54: {  	(tag) =	ssettag $0x2  }
0x55: {  	s0 =	rddreg [dreg:$0x0];
	s2 =	stileid.u32  }
0x56: {  	s1 =	rddreg [dreg:$0x1];
	p0 =	sne.s32 s2, $0x0  }
0x57: {  	s3 =	rddreg [dreg:$0x2];
	[bflag:$0x3] =	sbarrier.arrive $0xFFFF;
	s2 =	simm.s32 @!p0 $0x1C02  }
0x58: {  	[timem:s3], [sflag:s2] =	dma.local @!p0 [hbm:s0], s1  }
0x59: {  	s0 =	simm.s32 @!p0 $0x2  }
0x5a: {  	_ =	swait.ge @!p0 [sflag:s0], s1  }
0x5b: {  	s1 =	ssub.s32 @!p0 $0x0, s1;
	[sflag:s0] =	ssyncset.done @!p0 $0x0  }
0x5c: {  	[sflag:s0] =	ssyncadd.s32 @!p0 s1  }
0x5d: {  	[bflag:$0x3] =	sbarrier.arrive $0xFFFF  }
0x5e: {  	_ =	shalt  }

</sc_bundles>
